<compile_context>
chip_gen: v7x
topology: tpu7x:2x2x1
jax: 0.10.2.dev20260603
libtpu: 0.0.44.dev20260713+nightly
codegen_flags: <defaults>
</compile_context>

<pallas_src>
import functools

import jax
import jax.numpy as jnp
from jax.experimental import pallas as pl
from jax.experimental.pallas import tpu as pltpu

NUM_GATES = 16
DIM = 4096
EPS = 1e-9
SECOND_THRESHOLD = 0.2
CAPACITY = 160
BN = 256
BR = BN * NUM_GATES


def _gating_kernel(x_ref, w_ref, p_ref, disp_ref, comb_ref, bal_ref, z_ref,
                   carry_ref, proxy_ref, accb_ref, accz_ref, rep_ref, tri_ref,
                   *, nb_total):
    b = pl.program_id(0)
    nb = pl.program_id(1)
    step = b * nb_total + nb

    @pl.when(step == 0)
    def _reset_all():
        accb_ref[...] = jnp.zeros_like(accb_ref)
        accz_ref[...] = jnp.zeros_like(accz_ref)
        rep_ref[...] = (
            (jax.lax.broadcasted_iota(jnp.int32, (BR, BN), 0) // NUM_GATES)
            == jax.lax.broadcasted_iota(jnp.int32, (BR, BN), 1)
        ).astype(jnp.bfloat16)
        tri_ref[...] = (
            jax.lax.broadcasted_iota(jnp.int32, (BN, BN), 0)
            > jax.lax.broadcasted_iota(jnp.int32, (BN, BN), 1)
        ).astype(jnp.bfloat16)

    @pl.when(nb == 0)
    def _reset_batch():
        carry_ref[...] = jnp.zeros_like(carry_ref)
        proxy_ref[...] = jnp.zeros_like(proxy_ref)

    xb = x_ref[0]
    logits = jax.lax.dot_general(
        xb, w_ref[...], (((1,), (0,)), ((), ())),
        preferred_element_type=jnp.float32)

    m = jnp.max(logits, axis=1, keepdims=True)
    ex = jnp.exp(logits - m)
    s = jnp.sum(ex, axis=1, keepdims=True)
    sm = ex / s
    lse = m + jnp.log(s)

    accz_ref[...] = accz_ref[...] + jnp.sum(lse, axis=(0, 1), keepdims=True)
    proxy_ref[...] = proxy_ref[...] + jnp.sum(sm, axis=0, keepdims=True)

    e_iota = jax.lax.broadcasted_iota(jnp.int32, (BN, NUM_GATES), 1)
    g1 = jnp.max(sm, axis=1, keepdims=True)
    i1 = jnp.min(jnp.where(sm == g1, e_iota, NUM_GATES), axis=1, keepdims=True)
    sm2 = jnp.where(e_iota == i1, -jnp.inf, sm)
    g2 = jnp.max(sm2, axis=1, keepdims=True)
    i2 = jnp.min(jnp.where(sm2 == g2, e_iota, NUM_GATES), axis=1, keepdims=True)

    denom = g1 + g2 + EPS
    g1n = g1 / denom
    g2n = g2 / denom

    probs = p_ref[0, 0]
    keep2 = probs < (g2n / jnp.float32(SECOND_THRESHOLD))

    mask1 = (e_iota == i1).astype(jnp.bfloat16)
    mask2 = ((e_iota == i2) & keep2).astype(jnp.bfloat16)

    excl1 = jax.lax.dot_general(
        tri_ref[...], mask1, (((1,), (0,)), ((), ())),
        preferred_element_type=jnp.float32)
    excl2 = jax.lax.dot_general(
        tri_ref[...], mask2, (((1,), (0,)), ((), ())),
        preferred_element_type=jnp.float32)

    mask1f = mask1.astype(jnp.float32)
    mask2f = mask2.astype(jnp.float32)
    carry1 = carry_ref[0:1, :]
    carry2 = carry_ref[1:2, :]
    pos1 = jnp.sum((excl1 + carry1) * mask1f, axis=1, keepdims=True)
    pos2 = jnp.sum((excl2 + carry2) * mask2f, axis=1, keepdims=True)
    carry_ref[0:1, :] = carry1 + jnp.sum(mask1f, axis=0, keepdims=True)
    carry_ref[1:2, :] = carry2 + jnp.sum(mask2f, axis=0, keepdims=True)

    kept1 = (pos1 < CAPACITY).astype(jnp.float32)
    kept2 = (keep2 & (pos2 < CAPACITY)).astype(jnp.float32)
    g1f = g1n * kept1
    g2f = g2n * kept2

    p1c = jnp.minimum(pos1, jnp.float32(CAPACITY))
    p2c = jnp.minimum(pos2, jnp.float32(CAPACITY))
    vals = jnp.concatenate(
        [i1.astype(jnp.float32), p1c, g1f,
         i2.astype(jnp.float32), p2c, g2f], axis=1)
    rv = jax.lax.dot_general(
        rep_ref[...], vals.astype(jnp.bfloat16), (((1,), (0,)), ((), ())),
        preferred_element_type=jnp.float32)
    i1r = jnp.round(rv[:, 0:1])
    p1r = jnp.round(rv[:, 1:2])
    g1r = rv[:, 2:3]
    i2r = jnp.round(rv[:, 3:4])
    p2r = jnp.round(rv[:, 4:5])
    g2r = rv[:, 5:6]

    e_row = (jax.lax.broadcasted_iota(jnp.int32, (BR, 1), 0)
             & (NUM_GATES - 1)).astype(jnp.float32)
    val_rows = (jnp.where(e_row == i1r, g1r, 0.0)
                + jnp.where(e_row == i2r, g2r, 0.0))
    pos_rows = jnp.where(e_row == i1r, p1r, jnp.float32(4096.0))
    pos_rows = jnp.where(e_row == i2r, p2r, pos_rows)

    c_iota = jax.lax.broadcasted_iota(jnp.int32, (BR, CAPACITY), 1)
    combine = jnp.where(c_iota.astype(jnp.float32) == pos_rows, val_rows, 0.0)
    comb_ref[...] = combine
    disp_ref[...] = (combine != 0.0).astype(jnp.float32)

    @pl.when(nb == nb_total - 1)
    def _finish_batch():
        accb_ref[...] = accb_ref[...] + jnp.sum(
            proxy_ref[...] * carry_ref[0:1, :], axis=(0, 1), keepdims=True)

    bal_ref[...] = accb_ref[...] * jnp.float32(4.0 / (2048.0 * 2048.0))
    z_ref[...] = accz_ref[...] * jnp.float32(0.25)


@jax.jit
def kernel(x, w_gating):
    b, n, d = x.shape
    nb_total = n // BN
    probs = jax.lax.stop_gradient(
        jax.random.uniform(jax.random.key(42), (b, n), dtype=jnp.float32))
    probs4 = probs.reshape(b, nb_total, BN, 1)

    grid = (b, nb_total)
    out_shape = [
        jax.ShapeDtypeStruct((b * n * NUM_GATES, CAPACITY), jnp.float32),
        jax.ShapeDtypeStruct((b * n * NUM_GATES, CAPACITY), jnp.float32),
        jax.ShapeDtypeStruct((1, 1), jnp.float32),
        jax.ShapeDtypeStruct((1, 1), jnp.float32),
    ]
    disp, comb, bal, z = pl.pallas_call(
        functools.partial(_gating_kernel, nb_total=nb_total),
        grid=grid,
        in_specs=[
            pl.BlockSpec((1, BN, d), lambda i, j: (i, j, 0)),
            pl.BlockSpec((d, NUM_GATES), lambda i, j: (0, 0)),
            pl.BlockSpec((1, 1, BN, 1), lambda i, j: (i, j, 0, 0)),
        ],
        out_specs=[
            pl.BlockSpec((BR, CAPACITY), lambda i, j, nbt=nb_total: (i * nbt + j, 0)),
            pl.BlockSpec((BR, CAPACITY), lambda i, j, nbt=nb_total: (i * nbt + j, 0)),
            pl.BlockSpec((1, 1), lambda i, j: (0, 0)),
            pl.BlockSpec((1, 1), lambda i, j: (0, 0)),
        ],
        out_shape=out_shape,
        scratch_shapes=[
            pltpu.VMEM((2, NUM_GATES), jnp.float32),
            pltpu.VMEM((1, NUM_GATES), jnp.float32),
            pltpu.VMEM((1, 1), jnp.float32),
            pltpu.VMEM((1, 1), jnp.float32),
            pltpu.VMEM((BR, BN), jnp.bfloat16),
            pltpu.VMEM((BN, BN), jnp.bfloat16),
        ],
    )(x, w_gating, probs4)

    dispatch = disp.reshape(b, n, NUM_GATES, CAPACITY)
    combine = comb.reshape(b, n, NUM_GATES, CAPACITY)
    return dispatch, combine, bal[0, 0], z[0, 0]

# --- scband reference (transcript-rebuilt; emitter-appended) ---
"""Pipeline reference for scband-top2-gating-80839874445609 (READ-ONLY COPY).

The authoritative reference and input builder live on the scoring server;
editing this copy changes nothing except your own understanding.
"""

import jax, jax.numpy as jnp
import numpy as np

NUM_GATES = 16
DIM = 4096
EPS = 1e-9
SECOND_THRESHOLD = 0.2
CAPACITY_FACTOR = 1.25
MIN_EXPERT_CAPACITY = 4


def setup_inputs(seed: int = 0) -> dict:
    key = jax.random.key(seed)
    k1, k2 = jax.random.split(key)
    x = jax.random.normal(k1, (4, 2048, DIM), dtype=jnp.float32)
    # learned router weight, sized per init_kwargs (dim, num_gates); torch init is randn
    w_gating = jax.random.normal(k2, (DIM, NUM_GATES), dtype=jnp.float32)
    return {"x": x, "w_gating": w_gating}


def _forward(x, w_gating):
    # training-mode behavior (nn.Module default after __init__):
    # policy='random', threshold=0.2, capacity_factor=1.25, losses computed
    b, n, d = x.shape
    num_gates = NUM_GATES
    gate_logits = jnp.einsum('bnd,de->bne', x, w_gating)
    raw_gates = jax.nn.softmax(gate_logits, axis=-1)
    density_1_proxy = raw_gates
    top_vals, top_idx = jax.lax.top_k(raw_gates, 2)
    gate_1 = top_vals[..., 0]
    gate_2 = top_vals[..., 1]
    index_1 = top_idx[..., 0]
    index_2 = top_idx[..., 1]
    mask_1 = jax.nn.one_hot(index_1, num_gates, dtype=jnp.float32)
    mask_2 = jax.nn.one_hot(index_2, num_gates, dtype=jnp.float32)
    denom = gate_1 + gate_2 + EPS
    gate_1 = gate_1 / denom
    gate_2 = gate_2 / denom
    density_1 = jnp.mean(mask_1, axis=-2)
    density_1_proxy = jnp.mean(density_1_proxy, axis=-2)
    balance_loss = jnp.mean(density_1_proxy * density_1) * float(num_gates ** 2)
    # second-expert 'random' policy: stochastic keep with prob gate_2/threshold
    probs = jax.lax.stop_gradient(
        jax.random.uniform(jax.random.key(42), gate_2.shape, dtype=jnp.float32))
    keep2 = (probs < gate_2 / max(SECOND_THRESHOLD, EPS)).astype(jnp.float32)
    mask_2 = mask_2 * keep2[..., None]
    expert_capacity = min(n, int(n * CAPACITY_FACTOR / num_gates))
    expert_capacity = max(expert_capacity, MIN_EXPERT_CAPACITY)
    ecf = float(expert_capacity)
    # exclusive cumsum over token dim (-2)
    pos1 = (jnp.cumsum(mask_1, axis=-2) - mask_1) * mask_1
    mask_1 = mask_1 * (pos1 < ecf).astype(jnp.float32)
    mask_1_count = jnp.mean(mask_1, axis=-2, keepdims=True)
    mask_1_flat = jnp.sum(mask_1, axis=-1)
    pos1 = jnp.sum(pos1, axis=-1)
    gate_1 = gate_1 * mask_1_flat
    pos2 = (jnp.cumsum(mask_2, axis=-2) - mask_2) + mask_1_count
    pos2 = pos2 * mask_2
    mask_2 = mask_2 * (pos2 < ecf).astype(jnp.float32)
    mask_2_flat = jnp.sum(mask_2, axis=-1)
    pos2 = jnp.sum(pos2, axis=-1)
    gate_2 = gate_2 * mask_2_flat
    oh_idx1 = jax.nn.one_hot(index_1, num_gates, dtype=jnp.float32)
    oh_idx2 = jax.nn.one_hot(index_2, num_gates, dtype=jnp.float32)
    # safe_one_hot: out-of-range positions -> all-zero rows (jax.nn.one_hot semantics)
    oh_pos1 = jax.nn.one_hot(pos1.astype(jnp.int32), expert_capacity, dtype=jnp.float32)
    oh_pos2 = jax.nn.one_hot(pos2.astype(jnp.int32), expert_capacity, dtype=jnp.float32)
    combine_tensor = (
        gate_1[..., None, None] * mask_1_flat[..., None, None]
        * oh_idx1[..., None] * oh_pos1[..., None, :]
        + gate_2[..., None, None] * mask_2_flat[..., None, None]
        * oh_idx2[..., None] * oh_pos2[..., None, :])
    # detached_dispatch_tensor=True -> bool cast (no grad)
    dispatch_tensor = jax.lax.stop_gradient(
        (combine_tensor != 0.0).astype(x.dtype))
    router_z_loss = jnp.mean(jnp.sum(jax.nn.logsumexp(gate_logits, axis=-1), axis=-1))
    return dispatch_tensor, combine_tensor, balance_loss, router_z_loss


def reference(x, w_gating):
    return _forward(x, w_gating)

if __name__ == "__main__":
    import jax
    _d = setup_inputs()
    print(jax.jit(kernel)(*tuple(_d.values())))

</pallas_src>

<mosaic_0001>
module attributes {stable_mosaic.version = 14 : i64} {
  func.func @_gating_kernel(%arg0: i32, %arg1: i32, %arg2: memref<1x256x4096xf32, #tpu.memory_space<vmem>>, %arg3: memref<4096x16xf32, #tpu.memory_space<vmem>>, %arg4: memref<1x1x256x1xf32, #tpu.memory_space<vmem>>, %arg5: memref<4096x160xf32, #tpu.memory_space<vmem>>, %arg6: memref<4096x160xf32, #tpu.memory_space<vmem>>, %arg7: memref<1x1xf32, #tpu.memory_space<vmem>>, %arg8: memref<1x1xf32, #tpu.memory_space<vmem>>, %arg9: memref<2x16xf32, #tpu.memory_space<vmem>>, %arg10: memref<1x16xf32, #tpu.memory_space<vmem>>, %arg11: memref<1x1xf32, #tpu.memory_space<vmem>>, %arg12: memref<1x1xf32, #tpu.memory_space<vmem>>, %arg13: memref<4096x256xbf16, #tpu.memory_space<vmem>>, %arg14: memref<256x256xbf16, #tpu.memory_space<vmem>>) attributes {dimension_semantics = [#tpu.dimension_semantics<arbitrary>, #tpu.dimension_semantics<arbitrary>], iteration_bounds = array<i64: 4, 8>, scalar_prefetch = 0 : i64, scratch_operands = 6 : i64, tpu.core_type = #tpu.core_type<tc>, window_params = [{transform_indices = @transform_0, window_bounds = array<i64: 1, 256, 4096>}, {pipeline_mode = #tpu.pipeline_mode<synchronous>, transform_indices = @transform_1, window_bounds = array<i64: 4096, 16>}, {transform_indices = @transform_2, window_bounds = array<i64: 1, 1, 256, 1>}, {transform_indices = @transform_3, window_bounds = array<i64: 4096, 160>}, {transform_indices = @transform_4, window_bounds = array<i64: 4096, 160>}, {pipeline_mode = #tpu.pipeline_mode<synchronous>, transform_indices = @transform_5, window_bounds = array<i64: 1, 1>}, {pipeline_mode = #tpu.pipeline_mode<synchronous>, transform_indices = @transform_6, window_bounds = array<i64: 1, 1>}]} {
    %mul3A = arith.constant 8 : i32
    %mul3A_0 = arith.muli %arg0, %mul3A : i32
    %add3A = arith.addi %mul3A_0, %arg1 : i32
    %eq3A = arith.constant 0 : i32
    %eq3A_1 = arith.cmpi eq, %add3A, %eq3A : i32
    %convert_element_type3A = arith.extui %eq3A_1 : i1 to i32
    %cond3A = arith.constant 0 : i32
    %cond3A_2 = arith.cmpi ne, %convert_element_type3A, %cond3A : i32
    scf.if %cond3A_2 {
      %broadcast_in_dim3A_234 = arith.constant 0.000000e+00 : f32
      %broadcast_in_dim3A_235 = vector.broadcast %broadcast_in_dim3A_234 : f32 to vector<1x1xf32>
      %swap3A_236 = arith.constant 0 : index
      %swap3A_237 = arith.constant 0 : index
      %swap3A_238 = vector.load %arg11[%swap3A_236, %swap3A_237] : memref<1x1xf32, #tpu.memory_space<vmem>>, vector<1x1xf32>
      tpu.vector_store %arg11[%swap3A_236, %swap3A_237], %broadcast_in_dim3A_235 {strides = array<i32>} : memref<1x1xf32, #tpu.memory_space<vmem>>, vector<1x1xf32>,
      %broadcast_in_dim3A_239 = arith.constant 0.000000e+00 : f32
      %broadcast_in_dim3A_240 = vector.broadcast %broadcast_in_dim3A_239 : f32 to vector<1x1xf32>
      %swap3A_241 = arith.constant 0 : index
      %swap3A_242 = arith.constant 0 : index
      %swap3A_243 = vector.load %arg12[%swap3A_241, %swap3A_242] : memref<1x1xf32, #tpu.memory_space<vmem>>, vector<1x1xf32>
      tpu.vector_store %arg12[%swap3A_241, %swap3A_242], %broadcast_in_dim3A_240 {strides = array<i32>} : memref<1x1xf32, #tpu.memory_space<vmem>>, vector<1x1xf32>,
      %iota3A_244 = tpu.iota {dimensions = array<i32: 0>} : vector<4096x256xi32>
      %jit3A_245 = arith.constant 16 : i32
      %div3A_246 = vector.broadcast %jit3A_245 : i32 to vector<4096x256xi32>
      %div3A_247 = arith.divsi %iota3A_244, %div3A_246 : vector<4096x256xi32>
      %sign3A = arith.constant 0 : i32
      %sign3A_248 = vector.broadcast %sign3A : i32 to vector<4096x256xi32>
      %sign3A_249 = arith.cmpi sgt, %iota3A_244, %sign3A_248 : vector<4096x256xi32>
      %sign3A_250 = arith.extui %sign3A_249 : vector<4096x256xi1> to vector<4096x256xi32>
      %sign3A_251 = arith.constant 0 : i32
      %sign3A_252 = vector.broadcast %sign3A_251 : i32 to vector<4096x256xi32>
      %sign3A_253 = arith.cmpi slt, %iota3A_244, %sign3A_252 : vector<4096x256xi32>
      %sign3A_254 = arith.extui %sign3A_253 : vector<4096x256xi1> to vector<4096x256xi32>
      %sign3A_255 = arith.subi %sign3A_250, %sign3A_254 : vector<4096x256xi32>
      %sign3A_256 = arith.constant 0 : i32
      %sign3A_257 = arith.cmpi sgt, %jit3A_245, %sign3A_256 : i32
      %sign3A_258 = arith.extui %sign3A_257 : i1 to i32
      %sign3A_259 = arith.constant 0 : i32
      %sign3A_260 = arith.cmpi slt, %jit3A_245, %sign3A_259 : i32
      %sign3A_261 = arith.extui %sign3A_260 : i1 to i32
      %sign3A_262 = arith.subi %sign3A_258, %sign3A_261 : i32
      %ne3A_263 = vector.broadcast %sign3A_262 : i32 to vector<4096x256xi32>
      %ne3A_264 = arith.cmpi ne, %sign3A_255, %ne3A_263 : vector<4096x256xi32>
      %rem3A = vector.broadcast %jit3A_245 : i32 to vector<4096x256xi32>
      %rem3A_265 = arith.remsi %iota3A_244, %rem3A : vector<4096x256xi32>
      %ne3A_266 = arith.constant 0 : i32
      %ne3A_267 = vector.broadcast %ne3A_266 : i32 to vector<4096x256xi32>
      %ne3A_268 = arith.cmpi ne, %rem3A_265, %ne3A_267 : vector<4096x256xi32>
      %and3A_269 = arith.andi %ne3A_264, %ne3A_268 : vector<4096x256xi1>
      %sub3A_270 = arith.constant 1 : i32
      %sub3A_271 = vector.broadcast %sub3A_270 : i32 to vector<4096x256xi32>
      %sub3A_272 = arith.subi %div3A_247, %sub3A_271 : vector<4096x256xi32>
      %select_n3A_273 = arith.select %and3A_269, %sub3A_272, %div3A_247 : vector<4096x256xi1>, vector<4096x256xi32>
      %iota3A_274 = tpu.iota {dimensions = array<i32: 1>} : vector<4096x256xi32>
      %eq3A_275 = arith.cmpi eq, %select_n3A_273, %iota3A_274 : vector<4096x256xi32>
      %convert_element_type3A_276 = arith.extui %eq3A_275 : vector<4096x256xi1> to vector<4096x256xi32>
      %convert_element_type3A_277 = arith.sitofp %convert_element_type3A_276 : vector<4096x256xi32> to vector<4096x256xf32>
      %convert_element_type3A_278 = arith.truncf %convert_element_type3A_277 : vector<4096x256xf32> to vector<4096x256xbf16>
      %swap3A_279 = arith.constant 0 : index
      %swap3A_280 = arith.constant 0 : index
      %swap3A_281 = vector.load %arg13[%swap3A_279, %swap3A_280] : memref<4096x256xbf16, #tpu.memory_space<vmem>>, vector<4096x256xbf16>
      tpu.vector_store %arg13[%swap3A_279, %swap3A_280], %convert_element_type3A_278 {strides = array<i32>} : memref<4096x256xbf16, #tpu.memory_space<vmem>>, vector<4096x256xbf16>,
      %iota3A_282 = tpu.iota {dimensions = array<i32: 0>} : vector<256x256xi32>
      %iota3A_283 = tpu.iota {dimensions = array<i32: 1>} : vector<256x256xi32>
      %gt3A = arith.cmpi sgt, %iota3A_282, %iota3A_283 : vector<256x256xi32>
      %convert_element_type3A_284 = arith.extui %gt3A : vector<256x256xi1> to vector<256x256xi32>
      %convert_element_type3A_285 = arith.sitofp %convert_element_type3A_284 : vector<256x256xi32> to vector<256x256xf32>
      %convert_element_type3A_286 = arith.truncf %convert_element_type3A_285 : vector<256x256xf32> to vector<256x256xbf16>
      %swap3A_287 = arith.constant 0 : index
      %swap3A_288 = arith.constant 0 : index
      %swap3A_289 = vector.load %arg14[%swap3A_287, %swap3A_288] : memref<256x256xbf16, #tpu.memory_space<vmem>>, vector<256x256xbf16>
      tpu.vector_store %arg14[%swap3A_287, %swap3A_288], %convert_element_type3A_286 {strides = array<i32>} : memref<256x256xbf16, #tpu.memory_space<vmem>>, vector<256x256xbf16>,
    } else {
    }
    %eq3A_3 = arith.constant 0 : i32
    %eq3A_4 = arith.cmpi eq, %arg1, %eq3A_3 : i32
    %convert_element_type3A_5 = arith.extui %eq3A_4 : i1 to i32
    %cond3A_6 = arith.constant 0 : i32
    %cond3A_7 = arith.cmpi ne, %convert_element_type3A_5, %cond3A_6 : i32
    scf.if %cond3A_7 {
      %broadcast_in_dim3A_234 = arith.constant 0.000000e+00 : f32
      %broadcast_in_dim3A_235 = vector.broadcast %broadcast_in_dim3A_234 : f32 to vector<2x16xf32>
      %swap3A_236 = arith.constant 0 : index
      %swap3A_237 = arith.constant 0 : index
      %swap3A_238 = vector.load %arg9[%swap3A_236, %swap3A_237] : memref<2x16xf32, #tpu.memory_space<vmem>>, vector<2x16xf32>
      tpu.vector_store %arg9[%swap3A_236, %swap3A_237], %broadcast_in_dim3A_235 {strides = array<i32>} : memref<2x16xf32, #tpu.memory_space<vmem>>, vector<2x16xf32>,
      %broadcast_in_dim3A_239 = arith.constant 0.000000e+00 : f32
      %broadcast_in_dim3A_240 = vector.broadcast %broadcast_in_dim3A_239 : f32 to vector<1x16xf32>
      %swap3A_241 = arith.constant 0 : index
      %swap3A_242 = arith.constant 0 : index
      %swap3A_243 = vector.load %arg10[%swap3A_241, %swap3A_242] : memref<1x16xf32, #tpu.memory_space<vmem>>, vector<1x16xf32>
      tpu.vector_store %arg10[%swap3A_241, %swap3A_242], %broadcast_in_dim3A_240 {strides = array<i32>} : memref<1x16xf32, #tpu.memory_space<vmem>>, vector<1x16xf32>,
    } else {
    }
    %get3A = arith.constant 0 : index
    %get3A_8 = arith.constant 0 : index
    %get3A_9 = arith.constant 0 : index
    %get3A_10 = vector.load %arg2[%get3A, %get3A_8, %get3A_9] : memref<1x256x4096xf32, #tpu.memory_space<vmem>>, vector<1x256x4096xf32>
    %get3A_11 = vector.shape_cast %get3A_10 : vector<1x256x4096xf32> to vector<256x4096xf32>
    %get3A_12 = arith.constant 0 : index
    %get3A_13 = arith.constant 0 : index
    %get3A_14 = vector.load %arg3[%get3A_12, %get3A_13] : memref<4096x16xf32, #tpu.memory_space<vmem>>, vector<4096x16xf32>
    %dot_general3A = arith.constant dense<0.000000e+00> : vector<256x16xf32>
    %dot_general3A_15 = tpu.matmul %get3A_11, %get3A_14, %dot_general3A {dimension_numbers = #tpu.dot_dimension_numbers<[1], [0], [0], [1], [0, 0, 1, 1], [], []>, transpose_lhs_hint = false} : vector<256x4096xf32>, vector<4096x16xf32>, vector<256x16xf32> -> vector<256x16xf32>
    %reduce_max3A = arith.constant dense<0xFF800000> : vector<256xf32>
    %reduce_max3A_16 = vector.multi_reduction <maximumf>, %dot_general3A_15, %reduce_max3A [1] : vector<256x16xf32> to vector<256xf32>
    %broadcast_in_dim3A = vector.shape_cast %reduce_max3A_16 : vector<256xf32> to vector<256x1xf32>
    %sub3A = vector.broadcast %broadcast_in_dim3A : vector<256x1xf32> to vector<256x16xf32>
    %sub3A_17 = arith.subf %dot_general3A_15, %sub3A : vector<256x16xf32>
    %exp3A = math.exp %sub3A_17 : vector<256x16xf32>
    %reduce_sum3A = arith.constant dense<0.000000e+00> : vector<256xf32>
    %reduce_sum3A_18 = vector.multi_reduction <add>, %exp3A, %reduce_sum3A [1] : vector<256x16xf32> to vector<256xf32>
    %broadcast_in_dim3A_19 = vector.shape_cast %reduce_sum3A_18 : vector<256xf32> to vector<256x1xf32>
    %div3A = vector.broadcast %broadcast_in_dim3A_19 : vector<256x1xf32> to vector<256x16xf32>
    %div3A_20 = arith.divf %exp3A, %div3A : vector<256x16xf32>
    %log3A = math.log %broadcast_in_dim3A_19 : vector<256x1xf32>
    %add3A_21 = arith.addf %broadcast_in_dim3A, %log3A : vector<256x1xf32>
    %get3A_22 = arith.constant 0 : index
    %get3A_23 = arith.constant 0 : index
    %get3A_24 = vector.load %arg12[%get3A_22, %get3A_23] : memref<1x1xf32, #tpu.memory_space<vmem>>, vector<1x1xf32>
    %reduce_sum3A_25 = vector.shape_cast %add3A_21 : vector<256x1xf32> to vector<1x256x1xf32>
    %reduce_sum3A_26 = arith.constant dense<0.000000e+00> : vector<1xf32>
    %reduce_sum3A_27 = vector.multi_reduction <add>, %reduce_sum3A_25, %reduce_sum3A_26 [1, 2] : vector<1x256x1xf32> to vector<1xf32>
    %reduce_sum3A_28 = vector.shape_cast %reduce_sum3A_27 : vector<1xf32> to vector<1x1x1xf32>
    %reduce_sum3A_29 = vector.extract %reduce_sum3A_28[0, 0, 0] : f32 from vector<1x1x1xf32>
    %broadcast_in_dim3A_30 = vector.broadcast %reduce_sum3A_29 : f32 to vector<1x1xf32>
    %add3A_31 = arith.addf %get3A_24, %broadcast_in_dim3A_30 : vector<1x1xf32>
    %swap3A = arith.constant 0 : index
    %swap3A_32 = arith.constant 0 : index
    %swap3A_33 = vector.load %arg12[%swap3A, %swap3A_32] : memref<1x1xf32, #tpu.memory_space<vmem>>, vector<1x1xf32>
    tpu.vector_store %arg12[%swap3A, %swap3A_32], %add3A_31 {strides = array<i32>} : memref<1x1xf32, #tpu.memory_space<vmem>>, vector<1x1xf32>,
    %get3A_34 = arith.constant 0 : index
    %get3A_35 = arith.constant 0 : index
    %get3A_36 = vector.load %arg10[%get3A_34, %get3A_35] : memref<1x16xf32, #tpu.memory_space<vmem>>, vector<1x16xf32>
    %reduce_sum3A_37 = arith.constant dense<0.000000e+00> : vector<16xf32>
    %reduce_sum3A_38 = vector.multi_reduction <add>, %div3A_20, %reduce_sum3A_37 [0] : vector<256x16xf32> to vector<16xf32>
    %broadcast_in_dim3A_39 = vector.shape_cast %reduce_sum3A_38 : vector<16xf32> to vector<1x16xf32>
    %add3A_40 = arith.addf %get3A_36, %broadcast_in_dim3A_39 : vector<1x16xf32>
    %swap3A_41 = arith.constant 0 : index
    %swap3A_42 = arith.constant 0 : index
    %swap3A_43 = vector.load %arg10[%swap3A_41, %swap3A_42] : memref<1x16xf32, #tpu.memory_space<vmem>>, vector<1x16xf32>
    tpu.vector_store %arg10[%swap3A_41, %swap3A_42], %add3A_40 {strides = array<i32>} : memref<1x16xf32, #tpu.memory_space<vmem>>, vector<1x16xf32>,
    %iota3A = tpu.iota {dimensions = array<i32: 1>} : vector<256x16xi32>
    %reduce_max3A_44 = arith.constant dense<0xFF800000> : vector<256xf32>
    %reduce_max3A_45 = vector.multi_reduction <maximumf>, %div3A_20, %reduce_max3A_44 [1] : vector<256x16xf32> to vector<256xf32>
    %broadcast_in_dim3A_46 = vector.shape_cast %reduce_max3A_45 : vector<256xf32> to vector<256x1xf32>
    %eq3A_47 = vector.broadcast %broadcast_in_dim3A_46 : vector<256x1xf32> to vector<256x16xf32>
    %eq3A_48 = arith.cmpf oeq, %div3A_20, %eq3A_47 : vector<256x16xf32>
    %jit3A = arith.constant 16 : i32
    %broadcast_in_dim3A_49 = vector.broadcast %jit3A : i32 to vector<256x16xi32>
    %select_n3A = arith.select %eq3A_48, %iota3A, %broadcast_in_dim3A_49 : vector<256x16xi1>, vector<256x16xi32>
    %reduce_min3A = arith.constant dense<2147483647> : vector<256xi32>
    %reduce_min3A_50 = vector.multi_reduction <minsi>, %select_n3A, %reduce_min3A [1] : vector<256x16xi32> to vector<256xi32>
    %broadcast_in_dim3A_51 = vector.shape_cast %reduce_min3A_50 : vector<256xi32> to vector<256x1xi32>
    %eq3A_52 = vector.broadcast %broadcast_in_dim3A_51 : vector<256x1xi32> to vector<256x16xi32>
    %eq3A_53 = arith.cmpi eq, %iota3A, %eq3A_52 : vector<256x16xi32>
    %jit3A_54 = arith.constant 0xFF800000 : f32
    %broadcast_in_dim3A_55 = vector.broadcast %jit3A_54 : f32 to vector<256x16xf32>
    %select_n3A_56 = arith.select %eq3A_53, %broadcast_in_dim3A_55, %div3A_20 : vector<256x16xi1>, vector<256x16xf32>
    %reduce_max3A_57 = arith.constant dense<0xFF800000> : vector<256xf32>
    %reduce_max3A_58 = vector.multi_reduction <maximumf>, %select_n3A_56, %reduce_max3A_57 [1] : vector<256x16xf32> to vector<256xf32>
    %broadcast_in_dim3A_59 = vector.shape_cast %reduce_max3A_58 : vector<256xf32> to vector<256x1xf32>
    %eq3A_60 = vector.broadcast %broadcast_in_dim3A_59 : vector<256x1xf32> to vector<256x16xf32>
    %eq3A_61 = arith.cmpf oeq, %select_n3A_56, %eq3A_60 : vector<256x16xf32>
    %jit3A_62 = arith.constant 16 : i32
    %broadcast_in_dim3A_63 = vector.broadcast %jit3A_62 : i32 to vector<256x16xi32>
    %select_n3A_64 = arith.select %eq3A_61, %iota3A, %broadcast_in_dim3A_63 : vector<256x16xi1>, vector<256x16xi32>
    %reduce_min3A_65 = arith.constant dense<2147483647> : vector<256xi32>
    %reduce_min3A_66 = vector.multi_reduction <minsi>, %select_n3A_64, %reduce_min3A_65 [1] : vector<256x16xi32> to vector<256xi32>
    %broadcast_in_dim3A_67 = vector.shape_cast %reduce_min3A_66 : vector<256xi32> to vector<256x1xi32>
    %add3A_68 = arith.addf %broadcast_in_dim3A_46, %broadcast_in_dim3A_59 : vector<256x1xf32>
    %add3A_69 = arith.constant 9.99999971E-10 : f32
    %add3A_70 = vector.broadcast %add3A_69 : f32 to vector<256x1xf32>
    %add3A_71 = arith.addf %add3A_68, %add3A_70 : vector<256x1xf32>
    %div3A_72 = arith.divf %broadcast_in_dim3A_46, %add3A_71 : vector<256x1xf32>
    %div3A_73 = arith.divf %broadcast_in_dim3A_59, %add3A_71 : vector<256x1xf32>
    %get3A_74 = arith.constant 0 : index
    %get3A_75 = arith.constant 0 : index
    %get3A_76 = arith.constant 0 : index
    %get3A_77 = arith.constant 0 : index
    %get3A_78 = vector.load %arg4[%get3A_74, %get3A_75, %get3A_76, %get3A_77] : memref<1x1x256x1xf32, #tpu.memory_space<vmem>>, vector<1x1x256x1xf32>
    %get3A_79 = vector.shape_cast %get3A_78 : vector<1x1x256x1xf32> to vector<256x1xf32>
    %div3A_80 = arith.constant 2.000000e-01 : f32
    %div3A_81 = vector.broadcast %div3A_80 : f32 to vector<256x1xf32>
    %div3A_82 = arith.divf %div3A_73, %div3A_81 : vector<256x1xf32>
    %lt3A = arith.cmpf olt, %get3A_79, %div3A_82 : vector<256x1xf32>
    %eq3A_83 = vector.broadcast %broadcast_in_dim3A_51 : vector<256x1xi32> to vector<256x16xi32>
    %eq3A_84 = arith.cmpi eq, %iota3A, %eq3A_83 : vector<256x16xi32>
    %convert_element_type3A_85 = arith.extui %eq3A_84 : vector<256x16xi1> to vector<256x16xi32>
    %convert_element_type3A_86 = arith.sitofp %convert_element_type3A_85 : vector<256x16xi32> to vector<256x16xf32>
    %convert_element_type3A_87 = arith.truncf %convert_element_type3A_86 : vector<256x16xf32> to vector<256x16xbf16>
    %eq3A_88 = vector.broadcast %broadcast_in_dim3A_67 : vector<256x1xi32> to vector<256x16xi32>
    %eq3A_89 = arith.cmpi eq, %iota3A, %eq3A_88 : vector<256x16xi32>
    %and3A = vector.broadcast %lt3A : vector<256x1xi1> to vector<256x16xi1>
    %and3A_90 = arith.andi %eq3A_89, %and3A : vector<256x16xi1>
    %convert_element_type3A_91 = arith.extui %and3A_90 : vector<256x16xi1> to vector<256x16xi32>
    %convert_element_type3A_92 = arith.sitofp %convert_element_type3A_91 : vector<256x16xi32> to vector<256x16xf32>
    %convert_element_type3A_93 = arith.truncf %convert_element_type3A_92 : vector<256x16xf32> to vector<256x16xbf16>
    %get3A_94 = arith.constant 0 : index
    %get3A_95 = arith.constant 0 : index
    %get3A_96 = vector.load %arg14[%get3A_94, %get3A_95] : memref<256x256xbf16, #tpu.memory_space<vmem>>, vector<256x256xbf16>
    %dot_general3A_97 = arith.constant dense<0.000000e+00> : vector<256x16xf32>
    %dot_general3A_98 = tpu.matmul %get3A_96, %convert_element_type3A_87, %dot_general3A_97 {dimension_numbers = #tpu.dot_dimension_numbers<[1], [0], [0], [1], [0, 0, 1, 1], [], []>, transpose_lhs_hint = false} : vector<256x256xbf16>, vector<256x16xbf16>, vector<256x16xf32> -> vector<256x16xf32>
    %get3A_99 = arith.constant 0 : index
    %get3A_100 = arith.constant 0 : index
    %get3A_101 = vector.load %arg14[%get3A_99, %get3A_100] : memref<256x256xbf16, #tpu.memory_space<vmem>>, vector<256x256xbf16>
    %dot_general3A_102 = arith.constant dense<0.000000e+00> : vector<256x16xf32>
    %dot_general3A_103 = tpu.matmul %get3A_101, %convert_element_type3A_93, %dot_general3A_102 {dimension_numbers = #tpu.dot_dimension_numbers<[1], [0], [0], [1], [0, 0, 1, 1], [], []>, transpose_lhs_hint = false} : vector<256x256xbf16>, vector<256x16xbf16>, vector<256x16xf32> -> vector<256x16xf32>
    %convert_element_type3A_104 = arith.extf %convert_element_type3A_87 : vector<256x16xbf16> to vector<256x16xf32>
    %convert_element_type3A_105 = arith.extf %convert_element_type3A_93 : vector<256x16xbf16> to vector<256x16xf32>
    %get3A_106 = arith.constant 0 : index
    %get3A_107 = arith.constant 0 : index
    %get3A_108 = vector.load %arg9[%get3A_106, %get3A_107] : memref<2x16xf32, #tpu.memory_space<vmem>>, vector<1x16xf32>
    %get3A_109 = arith.constant 1 : index
    %get3A_110 = arith.constant 0 : index
    %get3A_111 = vector.load %arg9[%get3A_109, %get3A_110] : memref<2x16xf32, #tpu.memory_space<vmem>>, vector<1x16xf32>
    %add3A_112 = vector.broadcast %get3A_108 : vector<1x16xf32> to vector<256x16xf32>
    %add3A_113 = arith.addf %dot_general3A_98, %add3A_112 : vector<256x16xf32>
    %mul3A_114 = arith.mulf %add3A_113, %convert_element_type3A_104 : vector<256x16xf32>
    %reduce_sum3A_115 = arith.constant dense<0.000000e+00> : vector<256xf32>
    %reduce_sum3A_116 = vector.multi_reduction <add>, %mul3A_114, %reduce_sum3A_115 [1] : vector<256x16xf32> to vector<256xf32>
    %broadcast_in_dim3A_117 = vector.shape_cast %reduce_sum3A_116 : vector<256xf32> to vector<256x1xf32>
    %add3A_118 = vector.broadcast %get3A_111 : vector<1x16xf32> to vector<256x16xf32>
    %add3A_119 = arith.addf %dot_general3A_103, %add3A_118 : vector<256x16xf32>
    %mul3A_120 = arith.mulf %add3A_119, %convert_element_type3A_105 : vector<256x16xf32>
    %reduce_sum3A_121 = arith.constant dense<0.000000e+00> : vector<256xf32>
    %reduce_sum3A_122 = vector.multi_reduction <add>, %mul3A_120, %reduce_sum3A_121 [1] : vector<256x16xf32> to vector<256xf32>
    %broadcast_in_dim3A_123 = vector.shape_cast %reduce_sum3A_122 : vector<256xf32> to vector<256x1xf32>
    %reduce_sum3A_124 = arith.constant dense<0.000000e+00> : vector<16xf32>
    %reduce_sum3A_125 = vector.multi_reduction <add>, %convert_element_type3A_104, %reduce_sum3A_124 [0] : vector<256x16xf32> to vector<16xf32>
    %broadcast_in_dim3A_126 = vector.shape_cast %reduce_sum3A_125 : vector<16xf32> to vector<1x16xf32>
    %add3A_127 = arith.addf %get3A_108, %broadcast_in_dim3A_126 : vector<1x16xf32>
    %swap3A_128 = arith.constant 0 : index
    %swap3A_129 = arith.constant 0 : index
    %swap3A_130 = vector.load %arg9[%swap3A_128, %swap3A_129] : memref<2x16xf32, #tpu.memory_space<vmem>>, vector<1x16xf32>
    tpu.vector_store %arg9[%swap3A_128, %swap3A_129], %add3A_127 {strides = array<i32>} : memref<2x16xf32, #tpu.memory_space<vmem>>, vector<1x16xf32>,
    %reduce_sum3A_131 = arith.constant dense<0.000000e+00> : vector<16xf32>
    %reduce_sum3A_132 = vector.multi_reduction <add>, %convert_element_type3A_105, %reduce_sum3A_131 [0] : vector<256x16xf32> to vector<16xf32>
    %broadcast_in_dim3A_133 = vector.shape_cast %reduce_sum3A_132 : vector<16xf32> to vector<1x16xf32>
    %add3A_134 = arith.addf %get3A_111, %broadcast_in_dim3A_133 : vector<1x16xf32>
    %swap3A_135 = arith.constant 1 : index
    %swap3A_136 = arith.constant 0 : index
    %swap3A_137 = vector.load %arg9[%swap3A_135, %swap3A_136] : memref<2x16xf32, #tpu.memory_space<vmem>>, vector<1x16xf32>
    tpu.vector_store %arg9[%swap3A_135, %swap3A_136], %add3A_134 {strides = array<i32>} : memref<2x16xf32, #tpu.memory_space<vmem>>, vector<1x16xf32>,
    %lt3A_138 = arith.constant 1.600000e+02 : f32
    %lt3A_139 = vector.broadcast %lt3A_138 : f32 to vector<256x1xf32>
    %lt3A_140 = arith.cmpf olt, %broadcast_in_dim3A_117, %lt3A_139 : vector<256x1xf32>
    %convert_element_type3A_141 = arith.extui %lt3A_140 : vector<256x1xi1> to vector<256x1xi32>
    %convert_element_type3A_142 = arith.sitofp %convert_element_type3A_141 : vector<256x1xi32> to vector<256x1xf32>
    %lt3A_143 = arith.constant 1.600000e+02 : f32
    %lt3A_144 = vector.broadcast %lt3A_143 : f32 to vector<256x1xf32>
    %lt3A_145 = arith.cmpf olt, %broadcast_in_dim3A_123, %lt3A_144 : vector<256x1xf32>
    %and3A_146 = arith.andi %lt3A, %lt3A_145 : vector<256x1xi1>
    %convert_element_type3A_147 = arith.extui %and3A_146 : vector<256x1xi1> to vector<256x1xi32>
    %convert_element_type3A_148 = arith.sitofp %convert_element_type3A_147 : vector<256x1xi32> to vector<256x1xf32>
    %mul3A_149 = arith.mulf %div3A_72, %convert_element_type3A_142 : vector<256x1xf32>
    %mul3A_150 = arith.mulf %div3A_73, %convert_element_type3A_148 : vector<256x1xf32>
    %min3A = arith.constant 1.600000e+02 : f32
    %min3A_151 = vector.broadcast %min3A : f32 to vector<256x1xf32>
    %min3A_152 = arith.minimumf %broadcast_in_dim3A_117, %min3A_151 : vector<256x1xf32>
    %min3A_153 = arith.constant 1.600000e+02 : f32
    %min3A_154 = vector.broadcast %min3A_153 : f32 to vector<256x1xf32>
    %min3A_155 = arith.minimumf %broadcast_in_dim3A_123, %min3A_154 : vector<256x1xf32>
    %convert_element_type3A_156 = arith.sitofp %broadcast_in_dim3A_51 : vector<256x1xi32> to vector<256x1xf32>
    %convert_element_type3A_157 = arith.sitofp %broadcast_in_dim3A_67 : vector<256x1xi32> to vector<256x1xf32>
    %concatenate3A = tpu.concatenate %convert_element_type3A_156, %min3A_152, %mul3A_149, %convert_element_type3A_157, %min3A_155, %mul3A_150 in 1 : vector<256x1xf32>, vector<256x1xf32>, vector<256x1xf32>, vector<256x1xf32>, vector<256x1xf32>, vector<256x1xf32> -> vector<256x6xf32>
    %get3A_158 = arith.constant 0 : index
    %get3A_159 = arith.constant 0 : index
    %get3A_160 = vector.load %arg13[%get3A_158, %get3A_159] : memref<4096x256xbf16, #tpu.memory_space<vmem>>, vector<4096x256xbf16>
    %convert_element_type3A_161 = arith.truncf %concatenate3A : vector<256x6xf32> to vector<256x6xbf16>
    %dot_general3A_162 = arith.constant dense<0.000000e+00> : vector<4096x6xf32>
    %dot_general3A_163 = tpu.matmul %get3A_160, %convert_element_type3A_161, %dot_general3A_162 {dimension_numbers = #tpu.dot_dimension_numbers<[1], [0], [0], [1], [0, 0, 1, 1], [], []>, transpose_lhs_hint = false} : vector<4096x256xbf16>, vector<256x6xbf16>, vector<4096x6xf32> -> vector<4096x6xf32>
    %slice3A = vector.extract_strided_slice %dot_general3A_163 {offsets = [0, 0], sizes = [4096, 1], strides = [1, 1]} : vector<4096x6xf32> to vector<4096x1xf32>
    %round3A = math.roundeven %slice3A : vector<4096x1xf32>
    %slice3A_164 = vector.extract_strided_slice %dot_general3A_163 {offsets = [0, 1], sizes = [4096, 1], strides = [1, 1]} : vector<4096x6xf32> to vector<4096x1xf32>
    %round3A_165 = math.roundeven %slice3A_164 : vector<4096x1xf32>
    %slice3A_166 = vector.extract_strided_slice %dot_general3A_163 {offsets = [0, 2], sizes = [4096, 1], strides = [1, 1]} : vector<4096x6xf32> to vector<4096x1xf32>
    %slice3A_167 = vector.extract_strided_slice %dot_general3A_163 {offsets = [0, 3], sizes = [4096, 1], strides = [1, 1]} : vector<4096x6xf32> to vector<4096x1xf32>
    %round3A_168 = math.roundeven %slice3A_167 : vector<4096x1xf32>
    %slice3A_169 = vector.extract_strided_slice %dot_general3A_163 {offsets = [0, 4], sizes = [4096, 1], strides = [1, 1]} : vector<4096x6xf32> to vector<4096x1xf32>
    %round3A_170 = math.roundeven %slice3A_169 : vector<4096x1xf32>
    %slice3A_171 = vector.extract_strided_slice %dot_general3A_163 {offsets = [0, 5], sizes = [4096, 1], strides = [1, 1]} : vector<4096x6xf32> to vector<4096x1xf32>
    %iota3A_172 = tpu.iota {dimensions = array<i32: 0>} : vector<4096x1xi32>
    %and3A_173 = arith.constant 15 : i32
    %and3A_174 = vector.broadcast %and3A_173 : i32 to vector<4096x1xi32>
    %and3A_175 = arith.andi %iota3A_172, %and3A_174 : vector<4096x1xi32>
    %convert_element_type3A_176 = arith.sitofp %and3A_175 : vector<4096x1xi32> to vector<4096x1xf32>
    %eq3A_177 = arith.cmpf oeq, %convert_element_type3A_176, %round3A : vector<4096x1xf32>
    %jit3A_178 = arith.constant 0.000000e+00 : f32
    %broadcast_in_dim3A_179 = vector.broadcast %jit3A_178 : f32 to vector<4096x1xf32>
    %select_n3A_180 = arith.select %eq3A_177, %slice3A_166, %broadcast_in_dim3A_179 : vector<4096x1xi1>, vector<4096x1xf32>
    %eq3A_181 = arith.cmpf oeq, %convert_element_type3A_176, %round3A_168 : vector<4096x1xf32>
    %jit3A_182 = arith.constant 0.000000e+00 : f32
    %broadcast_in_dim3A_183 = vector.broadcast %jit3A_182 : f32 to vector<4096x1xf32>
    %select_n3A_184 = arith.select %eq3A_181, %slice3A_171, %broadcast_in_dim3A_183 : vector<4096x1xi1>, vector<4096x1xf32>
    %add3A_185 = arith.addf %select_n3A_180, %select_n3A_184 : vector<4096x1xf32>
    %eq3A_186 = arith.cmpf oeq, %convert_element_type3A_176, %round3A : vector<4096x1xf32>
    %jit3A_187 = arith.constant 4.096000e+03 : f32
    %broadcast_in_dim3A_188 = vector.broadcast %jit3A_187 : f32 to vector<4096x1xf32>
    %select_n3A_189 = arith.select %eq3A_186, %round3A_165, %broadcast_in_dim3A_188 : vector<4096x1xi1>, vector<4096x1xf32>
    %eq3A_190 = arith.cmpf oeq, %convert_element_type3A_176, %round3A_168 : vector<4096x1xf32>
    %select_n3A_191 = arith.select %eq3A_190, %round3A_170, %select_n3A_189 : vector<4096x1xi1>, vector<4096x1xf32>
    %iota3A_192 = tpu.iota {dimensions = array<i32: 1>} : vector<4096x160xi32>
    %convert_element_type3A_193 = arith.sitofp %iota3A_192 : vector<4096x160xi32> to vector<4096x160xf32>
    %eq3A_194 = vector.broadcast %select_n3A_191 : vector<4096x1xf32> to vector<4096x160xf32>
    %eq3A_195 = arith.cmpf oeq, %convert_element_type3A_193, %eq3A_194 : vector<4096x160xf32>
    %jit3A_196 = arith.constant 0.000000e+00 : f32
    %broadcast_in_dim3A_197 = vector.shape_cast %add3A_185 : vector<4096x1xf32> to vector<4096x1xf32>
    %broadcast_in_dim3A_198 = vector.broadcast %broadcast_in_dim3A_197 : vector<4096x1xf32> to vector<4096x160xf32>
    %broadcast_in_dim3A_199 = vector.broadcast %jit3A_196 : f32 to vector<4096x160xf32>
    %select_n3A_200 = arith.select %eq3A_195, %broadcast_in_dim3A_198, %broadcast_in_dim3A_199 : vector<4096x160xi1>, vector<4096x160xf32>
    %swap3A_201 = arith.constant 0 : index
    %swap3A_202 = arith.constant 0 : index
    %swap3A_203 = vector.load %arg6[%swap3A_201, %swap3A_202] : memref<4096x160xf32, #tpu.memory_space<vmem>>, vector<4096x160xf32>
    tpu.vector_store %arg6[%swap3A_201, %swap3A_202], %select_n3A_200 {strides = array<i32>} : memref<4096x160xf32, #tpu.memory_space<vmem>>, vector<4096x160xf32>,
    %ne3A = arith.constant 0.000000e+00 : f32
    %ne3A_204 = vector.broadcast %ne3A : f32 to vector<4096x160xf32>
    %ne3A_205 = arith.cmpf one, %select_n3A_200, %ne3A_204 : vector<4096x160xf32>
    %convert_element_type3A_206 = arith.extui %ne3A_205 : vector<4096x160xi1> to vector<4096x160xi32>
    %convert_element_type3A_207 = arith.sitofp %convert_element_type3A_206 : vector<4096x160xi32> to vector<4096x160xf32>
    %swap3A_208 = arith.constant 0 : index
    %swap3A_209 = arith.constant 0 : index
    %swap3A_210 = vector.load %arg5[%swap3A_208, %swap3A_209] : memref<4096x160xf32, #tpu.memory_space<vmem>>, vector<4096x160xf32>
    tpu.vector_store %arg5[%swap3A_208, %swap3A_209], %convert_element_type3A_207 {strides = array<i32>} : memref<4096x160xf32, #tpu.memory_space<vmem>>, vector<4096x160xf32>,
    %eq3A_211 = arith.constant 7 : i32
    %eq3A_212 = arith.cmpi eq, %arg1, %eq3A_211 : i32
    %convert_element_type3A_213 = arith.extui %eq3A_212 : i1 to i32
    %cond3A_214 = arith.constant 0 : i32
    %cond3A_215 = arith.cmpi ne, %convert_element_type3A_213, %cond3A_214 : i32
    scf.if %cond3A_215 {
      %get3A_234 = arith.constant 0 : index
      %get3A_235 = arith.constant 0 : index
      %get3A_236 = vector.load %arg11[%get3A_234, %get3A_235] : memref<1x1xf32, #tpu.memory_space<vmem>>, vector<1x1xf32>
      %get3A_237 = arith.constant 0 : index
      %get3A_238 = arith.constant 0 : index
      %get3A_239 = vector.load %arg10[%get3A_237, %get3A_238] : memref<1x16xf32, #tpu.memory_space<vmem>>, vector<1x16xf32>
      %get3A_240 = arith.constant 0 : index
      %get3A_241 = arith.constant 0 : index
      %get3A_242 = vector.load %arg9[%get3A_240, %get3A_241] : memref<2x16xf32, #tpu.memory_space<vmem>>, vector<1x16xf32>
      %mul3A_243 = arith.mulf %get3A_239, %get3A_242 : vector<1x16xf32>
      %reduce_sum3A_244 = vector.shape_cast %mul3A_243 : vector<1x16xf32> to vector<1x1x16xf32>
      %reduce_sum3A_245 = arith.constant dense<0.000000e+00> : vector<1xf32>
      %reduce_sum3A_246 = vector.multi_reduction <add>, %reduce_sum3A_244, %reduce_sum3A_245 [1, 2] : vector<1x1x16xf32> to vector<1xf32>
      %reduce_sum3A_247 = vector.shape_cast %reduce_sum3A_246 : vector<1xf32> to vector<1x1x1xf32>
      %reduce_sum3A_248 = vector.extract %reduce_sum3A_247[0, 0, 0] : f32 from vector<1x1x1xf32>
      %broadcast_in_dim3A_249 = vector.broadcast %reduce_sum3A_248 : f32 to vector<1x1xf32>
      %add3A_250 = arith.addf %get3A_236, %broadcast_in_dim3A_249 : vector<1x1xf32>
      %swap3A_251 = arith.constant 0 : index
      %swap3A_252 = arith.constant 0 : index
      %swap3A_253 = vector.load %arg11[%swap3A_251, %swap3A_252] : memref<1x1xf32, #tpu.memory_space<vmem>>, vector<1x1xf32>
      tpu.vector_store %arg11[%swap3A_251, %swap3A_252], %add3A_250 {strides = array<i32>} : memref<1x1xf32, #tpu.memory_space<vmem>>, vector<1x1xf32>,
    } else {
    }
    %get3A_216 = arith.constant 0 : index
    %get3A_217 = arith.constant 0 : index
    %get3A_218 = vector.load %arg11[%get3A_216, %get3A_217] : memref<1x1xf32, #tpu.memory_space<vmem>>, vector<1x1xf32>
    %mul3A_219 = arith.constant 9.53674316E-7 : f32
    %mul3A_220 = vector.broadcast %mul3A_219 : f32 to vector<1x1xf32>
    %mul3A_221 = arith.mulf %get3A_218, %mul3A_220 : vector<1x1xf32>
    %swap3A_222 = arith.constant 0 : index
    %swap3A_223 = arith.constant 0 : index
    %swap3A_224 = vector.load %arg7[%swap3A_222, %swap3A_223] : memref<1x1xf32, #tpu.memory_space<vmem>>, vector<1x1xf32>
    tpu.vector_store %arg7[%swap3A_222, %swap3A_223], %mul3A_221 {strides = array<i32>} : memref<1x1xf32, #tpu.memory_space<vmem>>, vector<1x1xf32>,
    %get3A_225 = arith.constant 0 : index
    %get3A_226 = arith.constant 0 : index
    %get3A_227 = vector.load %arg12[%get3A_225, %get3A_226] : memref<1x1xf32, #tpu.memory_space<vmem>>, vector<1x1xf32>
    %mul3A_228 = arith.constant 2.500000e-01 : f32
    %mul3A_229 = vector.broadcast %mul3A_228 : f32 to vector<1x1xf32>
    %mul3A_230 = arith.mulf %get3A_227, %mul3A_229 : vector<1x1xf32>
    %swap3A_231 = arith.constant 0 : index
    %swap3A_232 = arith.constant 0 : index
    %swap3A_233 = vector.load %arg8[%swap3A_231, %swap3A_232] : memref<1x1xf32, #tpu.memory_space<vmem>>, vector<1x1xf32>
    tpu.vector_store %arg8[%swap3A_231, %swap3A_232], %mul3A_230 {strides = array<i32>} : memref<1x1xf32, #tpu.memory_space<vmem>>, vector<1x1xf32>,
    return
  }
  func.func @transform_0(%arg0: i32, %arg1: i32) -> (i32, i32, i32) {
    %c0_i32 = arith.constant 0 : i32
    %c0_i32_0 = arith.constant 0 : i32
    return %arg0, %arg1, %c0_i32 : i32, i32, i32
  }
  func.func @transform_1(%arg0: i32, %arg1: i32) -> (i32, i32) {
    %c0_i32 = arith.constant 0 : i32
    %c0_i32_0 = arith.constant 0 : i32
    %c0_i32_1 = arith.constant 0 : i32
    return %c0_i32, %c0_i32_0 : i32, i32
  }
  func.func @transform_2(%arg0: i32, %arg1: i32) -> (i32, i32, i32, i32) {
    %c0_i32 = arith.constant 0 : i32
    %c0_i32_0 = arith.constant 0 : i32
    %c0_i32_1 = arith.constant 0 : i32
    return %arg0, %arg1, %c0_i32, %c0_i32_0 : i32, i32, i32, i32
  }
  func.func @transform_3(%arg0: i32, %arg1: i32) -> (i32, i32) {
    %mul3A = arith.constant 8 : i32
    %mul3A_0 = arith.muli %arg0, %mul3A : i32
    %add3A = arith.addi %mul3A_0, %arg1 : i32
    %c0_i32 = arith.constant 0 : i32
    %c0_i32_1 = arith.constant 0 : i32
    return %add3A, %c0_i32 : i32, i32
  }
  func.func @transform_4(%arg0: i32, %arg1: i32) -> (i32, i32) {
    %mul3A = arith.constant 8 : i32
    %mul3A_0 = arith.muli %arg0, %mul3A : i32
    %add3A = arith.addi %mul3A_0, %arg1 : i32
    %c0_i32 = arith.constant 0 : i32
    %c0_i32_1 = arith.constant 0 : i32
    return %add3A, %c0_i32 : i32, i32
  }
  func.func @transform_5(%arg0: i32, %arg1: i32) -> (i32, i32) {
    %c0_i32 = arith.constant 0 : i32
    %c0_i32_0 = arith.constant 0 : i32
    %c0_i32_1 = arith.constant 0 : i32
    return %c0_i32, %c0_i32_0 : i32, i32
  }
  func.func @transform_6(%arg0: i32, %arg1: i32) -> (i32, i32) {
    %c0_i32 = arith.constant 0 : i32
    %c0_i32_0 = arith.constant 0 : i32
    %c0_i32_1 = arith.constant 0 : i32
    return %c0_i32, %c0_i32_0 : i32, i32
  }
}

</mosaic_0001>

<sc_bundles>
// kernel: sparse-core-data-format-call.1.cloned.1.call-start
scs
called_computation.1_lowered:
.L_overlay_start_0:
0x0: {  	s2 =	sld [smem:$0x3FD9]  }
0x1: {  	s3 =	sld [smem:$0x3FFE];
	_ =	sdelay $0x1  }
0x2: {  	s1 =	srdreg.scid  }
0x3: {  	s0 =	sand.u32 $0x1, s1  }
0x4: {  	s16 =	sshll.u32 s0, $0xA;
	s2 =	sadd.s32 s3, s2  }
0x5: {  	s2 =	sadd.s32 s2, s16  }
0x6: {  	[smem:$0x3FC6] =	sst s2  }
0x7: {  	_ = 	snop  }
0x8: {  	s2 =	sld [smem:$0x3FD0];
	_ =	sdelay $0x2  }
0x9: {  	s17 =	simm.s32 $0xB;
	s4 =	simm.s32 $0x10  }
0xa: {  	[smem:s4], [sflag:s17] =	dma.local [hbm:s2], $0x1  }
0xb: {  	_ =	swait.eq [sflag:s17], $0x1  }
0xc: {  	[sflag:s17] =	ssyncset.done $0x0  }
0xd: {  	[sflag:s17] =	ssyncadd.s32 $0xFFFFFFFF  }
0xe: {  	s18 =	sld [smem:$0x10];
	(tm) =	ssettm $0x1  }
0xf: {  	s19 =	sld [smem:$0x3FFB];
	_ =	sdelay $0x3  }
0x10: {  	_ =	strace s19  }
0x11: {  	s2 =	sld [smem:$0x3FFC];
	_ =	sdelay $0x3  }
0x12: {  	_ =	strace s2  }
0x13: {  	s2 =	sld [smem:$0x3FFD];
	_ =	sdelay $0x3  }
0x14: {  	_ =	strace s2  }
0x15: {  	_ =	strace $0x8FFFFFFF  }
0x16: {  	s20 =	sld [smem:$0x3FDB];
	_ =	sdelay $0x1  }
0x17: {  	s21 =	simm.s32 $_scs_section_size  }
0x18: {  	s5 =	simm.s32 $_size__tile_overlayer_lowered;
	s6 =	simm.s32 $_tile_overlayer_lowered  }
0x19: {  	s7 =	simm.s32 $0x1BFF;
	s22 =	sshll.u32 s6, $0x1;
	s4 =	sadd.s32 s21, s20  }
0x1a: {  	s23 =	simm.s32 $0x0;
	s5 =	sshll.u32 s5, $0x1;
	s6 =	sadd.s32 s22, s4  }
0x1b: {  	[timem:s23], [sflag:s7] =	dma.local [hbm:s6], s5  }
0x1c: {  	_ =	swait.ge [sflag:s7], s5  }
0x1d: {  	s5 =	ssub.s32 $0x0, s5;
	[sflag:s7] =	ssyncset.done $0x0  }
0x1e: {  	[sflag:s7] =	ssyncadd.s32 s5;
	_ =	sdelay $0x1  }
0x1f: {  	s24 =	simm.s32 $0x1B8B  }
0x20: {  	_ =	swait.ge [sflag:s24], $0x1  }
0x21: {  	[sflag:s24] =	ssyncset.done $0x0  }
0x22: {  	[sflag:s24] =	ssyncadd.s32 $0xFFFFFFFF  }
0x23: {  	s5 =	sld [smem:$0x0]  }
0x24: {  	s6 =	sand.u32 $0xFFFFFFFE, s1  }
0x25: {  	p0 =	sne.s32 s1, s6  }
0x26: {  	s6 =	sshll.u32 @p0 s6, $0xE  }
0x27: {  	s6 =	sadd.s32 @p0 $0x11B8D, s6;
	s7 =	sshll.u32 @p0 s5, $0x11  }
0x28: {  	s6 =	sor.u32 @p0 s7, s6  }
0x29: {  	[sflag:s6] =	ssyncadd.remote.s32 @p0 $0x1;
	_ =	sdelay $0x1  }
0x2a: {  	s6 =	simm.s32 @p0 $0x1B8D  }
0x2b: {  	_ =	swait.eq @p0 [sflag:s6], $0x1  }
0x2c: {  	[sflag:s6] =	ssyncadd.s32 @p0 $0xFFFFFFFF  }
0x2d: {  	s7 =	sshll.u32 @!p0 s1, $0xE  }
0x2e: {  	s7 =	sor.u32 @!p0 $0x4000, s7;
	s6 =	simm.s32 @!p0 $0x1B8D  }
0x2f: {  	s5 =	sshll.u32 @!p0 s5, $0x11;
	s7 =	sadd.s32 @!p0 $0x11B8D, s7;
	_ =	swait.eq @!p0 [sflag:s6], $0x1  }
0x30: {  	s5 =	sor.u32 @!p0 s5, s7;
	[sflag:s6] =	ssyncadd.s32 @!p0 $0xFFFFFFFF  }
0x31: {  	s26 =	simm.s32 $0x1B8E;
	s25 =	sld [smem:$0x3FFE];
	[sflag:s5] =	ssyncadd.remote.s32 @!p0 $0x1  }
0x32: {  	s27 =	simm.s32 $execute0_lowered;
	[smem:$0x3FD2] =	sst s26  }
0x33: {  	s6 =	sshll.u32 s27, $0x1;
	_ =	strace $0x80000049;
	[dreg:$0x1] =	wrdreg $0xFFFFFFFF  }
0x34: {  	s28 =	simm.s32 $_size_execute0_lowered;
	s4 =	sadd.s32 s4, s6;
	[dreg:$0x0] =	wrdreg $0x0  }
0x35: {  	s6 =	sshll.u32 s28, $0x1;
	[dreg:$0x2] =	wrdreg s4  }
0x36: {  	[dreg:$0x3] =	wrdreg s6  }
0x37: {  	[dreg:$0x4] =	wrdreg $0xC0  }
0x38: {  	_ =	task [dreg:s23], $0x5FFFF  }
0x39: {  	[dreg:$0x1] =	wrdreg $0xFFFFFFFF  }
0x3a: {  	[dreg:$0x0] =	wrdreg $0x60  }
0x3b: {  	[dreg:$0x2] =	wrdreg s25  }
0x3c: {  	[dreg:$0x3] =	wrdreg s18  }
0x3d: {  	[dreg:$0x4] =	wrdreg $0xA  }
0x3e: {  	_ =	task.clear_ibuf [dreg:s23], $0x5FFFF;
	_ =	strace $0x90000049  }
0x3f: {  	s29 =	simm.s32 $0xA;
	_ =	strace $0x8000004B  }
0x40: {  	_ =	swait.ge [sflag:s29], $0x1  }
0x41: {  	[sflag:s29] =	ssyncadd.s32 $0xFFFFFFFF  }
0x42: {  	_ =	strace $0x9000004B  }
0x43: {  	_ =	sfence  }
0x44: {  	s30 =	sld [smem:$0x0];
	_ =	sdelay $0x2  }
0x45: {  	s31 =	sshll.u32 s1, $0xD;
	s1 =	sshrl.u32 s1, $0x2  }
0x46: {  	s4 =	sand.u32 $0x4000, s31;
	s1 =	sadd.s32 s1, s30  }
0x47: {  	s0 =	sor.u32 s4, s0;
	s1 =	sshll.u32 s1, $0x11  }
0x48: {  	s0 =	sor.u32 s1, s0  }
0x49: {  	s0 =	sadd.s32 $0x8F2B, s0  }
0x4a: {  	[sflag:s0] =	ssyncadd.remote.s32 $0x1  }
0x4b: {  	_ =	sfence.sel $0xFFFF  }
0x4c: {  	[dreg:$0x0] =	wrdreg $0xFFFFFFFF;
	(pc) =	sbr.abs _section_cstart, $3  }
0x4d: {  	[dreg:$0x1] =	wrdreg $0xFFFFFFFF  }
0x4e: {  	_ =	task.clear_ibuf [dreg:s23], $0x2FFFF;
	_ =	strace $0x9FFFFFFF  }
0x4f: {  	(tm) =	ssettm $0x7FFFFFFF  }
tec
execute0_lowered:
.L_overlay_start_1:
0x0: {  	(tag) =	ssettag $0x1  }
0x1: {  	s0 =	stileid.u32  }
0x2: {  	s1 =	srdreg.scid;
	s4 =	rddreg [dreg:$0x0]  }
0x3: {  	_ =	strace $0x8000004A;
	s7 =	simm.s32 $0x1;
	s31 =	simm.s32 $0x2  }
0x4: {  	s19 =	simm.s32 $0x0;
	s9 =	simm.s32 $0x4000;
	s21 =	simm.s32 $0x0  }
0x5: {  	s20 =	simm.s32 $0x0;
	s2 =	sshll.u32 s0, $0x5;
	s1 =	sshll.u32 s1, $0x9  }
0x6: {  	s22 =	simm.s32 $0x0;
	s10 =	simm.s32 $0x0;
	s1 =	sor.u32 s2, s1  }
0x7: {  	s12 =	simm.s32 $0x0;
	s13 =	simm.s32 $0x0;
	s2 =	sand.u32 $0x380, s1  }
0x8: {  	s14 =	simm.s32 $0x0;
	s15 =	simm.s32 $0x0;
	s5 =	ssub.s32 $0x800, s2  }
0x9: {  	s18 =	simm.s32 $0x0;
	s4 =	sadd.s32 $0x400C00, s4;
	s6 =	sand.u32 $0x380, s5  }
.Ltmp0:
0xa: {  	s1 =	simm.s32 $0x0;
	p0 =	sne.s32 s6, $0x0;
	(pc) =	sbr.rel .LBB1_1-.Ltmp0, $4  }
0xb: {  	s16 =	smov.u32 s2;
	s8 =	sshrl.u32 s5, $0xA;
	s7 =	simm.s32 @!p0 $0x0  }
0xc: {  	s5 =	sand.u32 $0x3, s0;
	s6 =	simm.s32 $0x1;
	s7 =	sadd.s32 s7, s8  }
0xd: {  	s17 =	smov.u32 s5;
	[sflag:s6] =	ssyncpa.u1 $0x0;
	s7 =	sshll.u32 s7, $0x5  }
0xe: {  	p0 =	por $0x0, $0x0;
	[sflag:s31] =	ssyncpa.u1 $0x0;
	s8 =	sor.u32 $0x1, s7  }
.LBB1_4:
0xf: {  	v5 =	vld [tilespmem:s24+$0xFFFFFFD0]  }
0x10: {  	v58 =	vld [tilespmem:s24+$0xFFFFFFE0]  }
0x11: {  	v59 =	vld [tilespmem:s24+$0xFFFFFFF0]  }
0x12: {  	s27 =	sshra.s32 s27, $0x2;
	v60 =	vld [tilespmem:s24+$0x0]  }
0x13: {  	s3 =	sshll.u32 s10, $0xB;
	p1 =	sgt.s32 s13, $0x3;
	s28 =	smov.u32 s13;
	v61 =	vld [tilespmem:s24+$0x10]  }
0x14: {  	s29 =	sshra.s32 s13, $0x1F;
	s30 =	sshll.u32 s12, $0x3;
	s11 =	sand.u32 $0x78, s12;
	v62 =	vld [tilespmem:s24+$0x20]  }
0x15: {  	v63 =	vld [tilespmem:s24+$0xFFFFFFC0];
	s24 =	smul.u32 $0xA0000, s13;
	s26 =	sadd.s32 s27, s26;
	s28 =	simm.s32 @!p1 $0x3  }
0x16: {  	s29 =	sand.u32 s29, s13;
	s27 =	sand.u32 $0xFFFFC000, s3;
	s31 =	sand.u32 $0xFFFFFC00, s30  }
0x17: {  	s30 =	sand.u32 $0x400, s30;
	s3 =	sshra.s32 s12, $0x1F;
	s28 =	ssub.s32 s28, s29  }
0x18: {  	s27 =	sadd.s32 s31, s27;
	s29 =	sor.u32 s11, s30;
	s30 =	smov.u32 s12  }
0x19: {  	s11 =	smov.u32 s1;
	s31 =	sand.u32 s3, s12;
	s0 =	sadd.s32 $0xFFFFFFFD, s28  }
0x1a: {  	s3 =	sshra.s32 s10, $0x1F;
	s28 =	ssub.s32 $0x4, s28;
	p1 =	sgt.s32 s0, $0x0  }
0x1b: {  	s27 =	sshrl.u32 s27, $0xB;
	s28 =	simm.s32 @p1 $0x0;
	p1 =	sgt.s32 s12, $0x780  }
0x1c: {  	s0 =	sshra.s32 s1, $0x1F;
	s30 =	simm.s32 @!p1 $0x780;
	p1 =	sgt.s32 s1, $0xF  }
0x1d: {  	s3 =	sand.u32 s3, s10;
	s0 =	sand.u32 s0, s1;
	s11 =	simm.s32 @!p1 $0xF  }
0x1e: {  	s30 =	ssub.s32 s30, s31;
	p1 =	sgt.s32 s10, $0x20;
	s0 =	ssub.s32 s11, s0  }
0x1f: {  	[tilespmem:s25+$0x2040 ss:$0x81] =	vst.msk $0xffff, v4;
	s11 =	smov.u32 s10;
	s31 =	sadd.s32 $0xFFFFF880, s30;
	s30 =	ssub.s32 $0x800, s30  }
0x20: {  	[tilespmem:s25+$0x2850 ss:$0x81] =	vst.msk $0xffff, v3;
	s11 =	simm.s32 @!p1 $0x20;
	p1 =	sgt.s32 s31, $0x7F;
	s31 =	sadd.s32 $0xFFFFFFF1, s0  }
0x21: {  	[tilespmem:s25+$0x3060 ss:$0x81] =	vst.msk $0xffff, v2;
	s30 =	simm.s32 @p1 $0x0;
	p1 =	sgt.s32 s31, $0x0;
	s31 =	smulhi.u32 $0x199999A, s27  }
0x22: {  	[tilespmem:s25+$0x0 ss:$0x81] =	vst.msk $0xffff, v1;
	s0 =	ssub.s32 $0x10, s0;
	s3 =	ssub.s32 s11, s3;
	s11 =	smul.u32 s28, s30  }
0x23: {  	[tilespmem:s26+$0x3870 ss:$0x81] =	vst.msk $0xffff, v0;
	s30 =	sshll.u32 s10, $0x7;
	s0 =	simm.s32 @p1 $0x0;
	s28 =	smul.u32 $0xA0, s31  }
0x24: {  	[tilespmem:s26+$0x810 ss:$0x81] =	vst.msk $0xffff, v5;
	s25 =	sand.u32 $0x380, s30;
	s31 =	sadd.s32 $0xFFFFFFE0, s3;
	s30 =	smul.u32 $0xA000, s1  }
0x25: {  	[tilespmem:s26+$0x1020 ss:$0x81] =	vst.msk $0xffff, v58;
	s3 =	ssub.s32 $0xA0, s3;
	s0 =	smul.u32 s0, s11;
	p1 =	sgt.s32 s31, $0x7F  }
0x26: {  	[tilespmem:s26+$0x1830 ss:$0x81] =	vst.msk $0xffff, v59;
	s29 =	sor.u32 s25, s29;
	s31 =	rddreg [dreg:$0x1];
	s3 =	simm.s32 @p1 $0x0  }
0x27: {  	[tilespmem:s26+$0x2040 ss:$0x81] =	vst.msk $0xffff, v60;
	s27 =	ssub.s32 s27, s28;
	s0 =	smul.u32 s3, s0;
	s3 =	sadd.s32 s31, s24  }
0x28: {  	[tilespmem:s26+$0x2850 ss:$0x81] =	vst.msk $0xffff, v61;
	s28 =	sshrl.u32 s29, $0x3;
	s29 =	sand.u32 $0x7, s12;
	s3 =	sadd.s32 s30, s3  }
0x29: {  	[tilespmem:s26+$0x3060 ss:$0x81] =	vst.msk $0xffff, v62;
	s31 =	sshll.u32 s29, $0x12;
	s30 =	sshll.u32 s27, $0x8;
	s3 =	sadd.s32 s28, s3  }
0x2a: {  	[tilespmem:s26+$0x0 ss:$0x81] =	vst.msk $0xffff, v63;
	s11 =	sor.u32 $0x400, s31;
	s0 =	sand.u32 $0x3FFFFFFF, s0;
	s3 =	sadd.s32 s30, s3  }
0x2b: {  	[hbm4b:s3+s11] =	stream.strided.scatter [tilespmem:s23], [sflag:$0x2], s0, s9, s11, $0x20;
	[tilespmem:$0x10100] =	vst v63  }
.LBB1_5:
0x2c: {  	p1 =	slt.u32 s18, $0x2;
	s0 =	smov.u32 s22  }
0x2d: {  	s23 =	sadd.s32 $0x80, s14;
	s24 =	smov.u32 s16;
	s25 =	smov.u32 s17  }
0x2e: {  	p0 =	por !p0, !p0;
	p2 =	sgt.s32 @!p1 s22, $0x3;
	s3 =	sshra.s32 @!p1 s22, $0x1F  }
0x2f: {  	s11 =	sshra.s32 @!p1 s21, $0x1F;
	p3 =	sgt.s32 @!p1 s20, $0x780;
	p2 =	por !p2, p1  }
0x30: {  	s3 =	sand.u32 @!p1 s3, s22;
	s11 =	sand.u32 @!p1 s11, s21;
	s0 =	simm.s32 @p2 $0x3  }
0x31: {  	p3 =	por !p3, p1;
	p2 =	sgt.s32 @!p1 s21, $0xF;
	s0 =	ssub.s32 @!p1 s0, s3  }
0x32: {  	p2 =	por !p2, p1;
	s3 =	smov.u32 s21;
	s21 =	sadd.s32 @!p1 $0xFFFFFFFD, s0  }
0x33: {  	s3 =	simm.s32 @p2 $0xF;
	s0 =	ssub.s32 @!p1 $0x4, s0;
	p2 =	sgt.s32 @!p1 s21, $0x0  }
0x34: {  	s3 =	ssub.s32 @!p1 s3, s11;
	s21 =	sshra.s32 @!p1 s20, $0x1F;
	p2 =	por !p2, p1  }
0x35: {  	s11 =	sadd.s32 @!p1 $0xFFFFFFF1, s3;
	s3 =	ssub.s32 @!p1 $0x10, s3;
	s0 =	simm.s32 @!p2 $0x0  }
0x36: {  	p2 =	sgt.s32 @!p1 s11, $0x0;
	s11 =	smov.u32 s20;
	s20 =	sand.u32 @!p1 s21, s20  }
0x37: {  	s21 =	sshra.s32 @!p1 s19, $0x1F;
	s11 =	simm.s32 @p3 $0x780;
	p3 =	sgt.s32 @!p1 s19, $0x20  }
0x38: {  	p2 =	por !p2, p1;
	s11 =	ssub.s32 @!p1 s11, s20;
	p3 =	por !p3, p1  }
0x39: {  	s20 =	smov.u32 s19;
	s19 =	sand.u32 @!p1 s21, s19;
	s21 =	sadd.s32 @!p1 $0xFFFFF880, s11  }
0x3a: {  	s3 =	simm.s32 @!p2 $0x0;
	s20 =	simm.s32 @p3 $0x20;
	p2 =	sgt.s32 @!p1 s21, $0x7F  }
0x3b: {  	s11 =	ssub.s32 @!p1 $0x800, s11;
	s19 =	ssub.s32 @!p1 s20, s19;
	p2 =	por !p2, p1  }
0x3c: {  	s22 =	smov.u32 s13;
	s20 =	sadd.s32 @!p1 $0xFFFFFFE0, s19;
	s11 =	simm.s32 @!p2 $0x0  }
0x3d: {  	p2 =	sgt.s32 s23, $0x9F;
	s0 =	smul.u32 @!p1 s0, s11;
	s11 =	simm.s32 $0x1  }
0x3e: {  	s19 =	ssub.s32 @!p1 $0xA0, s19;
	p3 =	sgt.s32 @!p1 s20, $0x7F;
	s11 =	simm.s32 @!p2 $0x0  }
0x3f: {  	p3 =	por !p3, p1;
	s0 =	smul.u32 @!p1 s3, s0;
	s3 =	sadd.s32 s11, s15  }
0x40: {  	s19 =	simm.s32 @!p3 $0x0;
	s11 =	sadd.s32 $0x400, s16;
	p3 =	sgt.s32 s3, $0xF  }
0x41: {  	s13 =	smov.u32 s17;
	s21 =	smov.u32 s1;
	s24 =	smov.u32 @p3 s11  }
0x42: {  	s23 =	simm.s32 @p2 $0x0;
	s11 =	sadd.s32 $0x4, s17;
	p2 =	sgt.s32 s24, $0x7FF  }
0x43: {  	s1 =	smov.u32 s15;
	s20 =	smov.u32 s12;
	s25 =	smov.u32 @p2 s11  }
0x44: {  	s12 =	smov.u32 s16;
	s24 =	smov.u32 @p2 s2;
	p2 =	sgt.s32 s25, $0x3  }
0x45: {  	s0 =	smul.u32 @!p1 s19, s0;
	s25 =	smov.u32 @p2 s5;
	p2 =	sne.s32 s18, s8  }
.Ltmp1:
0x46: {  	s3 =	simm.s32 @p3 $0x0;
	s19 =	smov.u32 s10;
	(pc) =	sbr.rel @!p2 .LBB1_6-.Ltmp1, $4  }
0x47: {  	s10 =	smov.u32 s14;
	s0 =	sand.u32 @!p1 $0x3FFFFFFF, s0;
	s11 =	simm.s32 @!p1 $0x2  }
0x48: {  	s14 =	smov.u32 s23;
	s15 =	smov.u32 s3;
	_ =	swait.ge @!p1 [sflag:s11], s0  }
0x49: {  	s0 =	ssub.s32 @!p1 $0x0, s0;
	s16 =	smov.u32 s24;
	[sflag:s11] =	ssyncset.done @!p1 $0x0  }
0x4a: {  	s18 =	sadd.s32 $0x1, s18;
	[sflag:s11] =	ssyncadd.s32 @!p1 s0;
	s17 =	smov.u32 s25  }
.LBB1_1:
0x4b: {  	p1 =	sge.u32 s18, s7;
	s31 =	sadd.s32 $0xFFFFFFFF, s18  }
0x4c: {  	s23 =	sxor.u32 @!p1 $0xFFFFFFFF, s18;
	s24 =	sand.u32 @!p1 $0x78, s14;
	s25 =	sshll.u32 @!p1 s15, $0x8  }
0x4d: {  	s26 =	sshll.u32 @!p1 s14, $0x3;
	s27 =	sshll.u32 @!p1 s15, $0x7;
	s23 =	sshll.u32 @!p1 s23, $0xE  }
0x4e: {  	s25 =	sand.u32 @!p1 $0x800, s25;
	s26 =	sand.u32 @!p1 $0xC00, s26;
	s23 =	sand.u32 @!p1 $0x4000, s23  }
0x4f: {  	s25 =	sadd.s32 @!p1 s25, s26;
	s26 =	sand.u32 @!p1 $0x300, s27;
	s27 =	sand.u32 @!p1 $0x80, s27  }
0x50: {  	s25 =	sor.u32 @!p1 s26, s25;
	s24 =	sor.u32 @!p1 s24, s27;
	s26 =	sshll.u32 @!p1 s17, $0x14  }
0x51: {  	s27 =	sshll.u32 @!p1 s16, $0x9;
	s25 =	sshrl.u32 @!p1 s25, $0x3;
	s26 =	sadd.s32 @!p1 s4, s26  }
0x52: {  	s24 =	sshrl.u32 @!p1 s24, $0x3;
	s26 =	sadd.s32 @!p1 s27, s26;
	s27 =	sand.u32 @!p1 $0x7, s14  }
0x53: {  	s25 =	sand.u32 @!p1 $0x1E0, s25;
	s24 =	sadd.s32 @!p1 s24, s26;
	s26 =	sshll.u32 @!p1 s27, $0x12  }
0x54: {  	s24 =	sadd.s32 @!p1 s25, s24;
	s25 =	sor.u32 @!p1 $0x80, s26;
	s26 =	simm.s32 @!p1 $0x1000  }
0x55: {  	[tilespmem:s23], [sflag:$0x1] =	stream.strided.gather @!p1 [hbm4b:s24+s25], $0x4000, s26, s25, $0x38;
	[tilespmem:$0x10100] =	vst v63  }
0x56: {  	p1 =	sge.u32 s31, s7  }
.Ltmp2:
0x57: {  	_ = 	snop;
	(pc) =	sbr.rel @p1 .LBB1_5-.Ltmp2, $1  }
0x58: {  	_ =	sdelay $0x3  }
0x59: {  	s23 =	simm.s32 $0x1  }
0x5a: {  	_ =	swait.ge [sflag:s6], $0x4000;
	s23 =	simm.s32 @!p0 $0x0  }
0x5b: {  	[sflag:s6] =	ssyncset.done $0x0;
	s24 =	sshll.u32 s23, $0xE  }
0x5c: {  	[sflag:s6] =	ssyncadd.s32 $0xFFFFC000;
	s24 =	sor.u32 $0x40, s24  }
0x5d: {  	s23 =	smul.u32 $0x10200, s23;
	v0 =	vld [tilespmem:s24+$0x30]  }
0x5e: {  	v1 =	vld [tilespmem:s24+$0xFFFFFFD0]  }
0x5f: {  	s23 =	sshrl.u32 s23, $0x2;
	v5 =	vld [tilespmem:s24+$0xFFFFFFE0]  }
0x60: {  	v6 =	vld [tilespmem:s24+$0xFFFFFFF0];
	s26 =	sor.u32 $0x8000, s23  }
0x61: {  	s31 =	sand.u32 $0x1, s18;
	v4 =	vld [tilespmem:s24+$0x0];
	s25 =	sadd.s32 $0x0, s26  }
0x62: {  	v3 =	vld [tilespmem:s24+$0x10];
	s23 =	smul.u32 $0x10200, s31;
	[tilespmem:s25+$0x3870 ss:$0x81] =	vst.msk $0xffff, v0  }
0x63: {  	v2 =	vld [tilespmem:s24+$0x20];
	[tilespmem:s25+$0x810 ss:$0x81] =	vst.msk $0xffff, v1  }
0x64: {  	s23 =	sshrl.u32 s23, $0x2;
	v1 =	vld [tilespmem:s24+$0xFFFFFFC0];
	[tilespmem:s25+$0x1020 ss:$0x81] =	vst.msk $0xffff, v5;
	s24 =	sadd.s32 $0x80, s24  }
0x65: {  	s27 =	simm.s32 $0x4;
	s28 =	simm.s32 $0x8;
	s23 =	sor.u32 $0x8000, s23;
	[tilespmem:s25+$0x1830 ss:$0x81] =	vst.msk $0xffff, v6;
	v0 =	vld [tilespmem:s24+$0x30]  }
.LBB1_3:
0x66: {  	p1 =	sne.s32 s28, $0x1FC;
	v5 =	vld [tilespmem:s24+$0xFFFFFFD0];
	[tilespmem:s25+$0x2040 ss:$0x81] =	vst.msk $0xffff, v4  }
0x67: {  	v6 =	vld [tilespmem:s24+$0xFFFFFFE0];
	[tilespmem:s25+$0x2850 ss:$0x81] =	vst.msk $0xffff, v3  }
0x68: {  	s29 =	sshra.s32 s27, $0x2;
	s27 =	smov.u32 s28;
	v7 =	vld [tilespmem:s24+$0xFFFFFFF0];
	[tilespmem:s25+$0x3060 ss:$0x81] =	vst.msk $0xffff, v2  }
.Ltmp3:
0x69: {  	v4 =	vld [tilespmem:s24+$0x0];
	[tilespmem:s25+$0x0 ss:$0x81] =	vst.msk $0xffff, v1;
	s25 =	sadd.s32 s29, s26;
	(pc) =	sbr.rel @p1 .LBB1_3-.Ltmp3, $4  }
0x6a: {  	v3 =	vld [tilespmem:s24+$0x10];
	[tilespmem:s25+$0x3870 ss:$0x81] =	vst.msk $0xffff, v0  }
0x6b: {  	[tilespmem:s25+$0x810 ss:$0x81] =	vst.msk $0xffff, v5;
	v2 =	vld [tilespmem:s24+$0x20]  }
0x6c: {  	v1 =	vld [tilespmem:s24+$0xFFFFFFC0];
	[tilespmem:s25+$0x1020 ss:$0x81] =	vst.msk $0xffff, v6;
	s24 =	sadd.s32 $0x80, s24  }
0x6d: {  	s28 =	sadd.s32 $0x4, s28;
	v0 =	vld [tilespmem:s24+$0x30];
	[tilespmem:s25+$0x1830 ss:$0x81] =	vst.msk $0xffff, v7  }
.Ltmp4:
0x6e: {  	_ = 	snop;
	(pc) =	sbr.rel .LBB1_4-.Ltmp4, $1  }
0x6f: {  	_ =	sdelay $0x3  }
.LBB1_6:
0x70: {  	_ =	sfence.sel $0x180000  }
0x71: {  	s0 =	simm.s32 $0x1;
	[bflag:$0x0] =	sbarrier.arrive $0xFFFF  }
0x72: {  	s30 =	simm.s32 $0x2;
	[sflag:s0] =	ssyncpa.u1 $0x1  }
0x73: {  	[sflag:s30] =	ssyncpa.u1 $0x1  }
0x74: {  	_ =	strace $0x9000004A  }
0x75: {  	s31 =	stileid.u32;
	[bflag:$0x2] =	sbarrier.arrive $0xFFFF  }
0x76: {  	p0 =	sne.s32 s31, $0x0;
	s0 =	rddreg [dreg:$0x2]  }
0x77: {  	s0 =	sadd.s32 @!p0 $0x100000, s0  }
0x78: {  	[sflag:s0] =	ssyncadd.tile.s32 @!p0 $0x1;
	_ =	shalt  }
.Lfunc_end1:
_tile_overlayer_lowered:
.L_overlay_start_2:
0x79: {  	(tag) =	ssettag $0x2  }
0x7a: {  	s0 =	rddreg [dreg:$0x0];
	s2 =	stileid.u32  }
0x7b: {  	s1 =	rddreg [dreg:$0x1];
	p0 =	sne.s32 s2, $0x0  }
0x7c: {  	s3 =	rddreg [dreg:$0x2];
	[bflag:$0x3] =	sbarrier.arrive $0xFFFF;
	s2 =	simm.s32 @!p0 $0x1C01  }
0x7d: {  	[timem:s3], [sflag:s2] =	dma.local @!p0 [hbm:s0], s1  }
0x7e: {  	s0 =	simm.s32 @!p0 $0x1  }
0x7f: {  	_ =	swait.ge @!p0 [sflag:s0], s1  }
0x80: {  	s1 =	ssub.s32 @!p0 $0x0, s1;
	[sflag:s0] =	ssyncset.done @!p0 $0x0  }
0x81: {  	[sflag:s0] =	ssyncadd.s32 @!p0 s1  }
0x82: {  	[bflag:$0x3] =	sbarrier.arrive $0xFFFF  }
0x83: {  	_ =	shalt  }

// kernel: sparse-core-data-format-call.cloned.1.call-start
scs
called_computation_lowered:
.L_overlay_start_0:
0x0: {  	s2 =	sld [smem:$0x3FD9]  }
0x1: {  	s3 =	sld [smem:$0x3FFE];
	_ =	sdelay $0x1  }
0x2: {  	s1 =	srdreg.scid  }
0x3: {  	s0 =	sand.u32 $0x1, s1  }
0x4: {  	s15 =	sshll.u32 s0, $0xA;
	s2 =	sadd.s32 s3, s2  }
0x5: {  	s2 =	sadd.s32 s2, s15  }
0x6: {  	[smem:$0x3FC6] =	sst s2  }
0x7: {  	_ = 	snop  }
0x8: {  	s2 =	sld [smem:$0x3FD0];
	_ =	sdelay $0x2  }
0x9: {  	s16 =	simm.s32 $0xB;
	s4 =	simm.s32 $0x10  }
0xa: {  	[smem:s4], [sflag:s16] =	dma.local [hbm:s2], $0x1  }
0xb: {  	_ =	swait.eq [sflag:s16], $0x1  }
0xc: {  	[sflag:s16] =	ssyncset.done $0x0  }
0xd: {  	[sflag:s16] =	ssyncadd.s32 $0xFFFFFFFF  }
0xe: {  	s17 =	sld [smem:$0x11];
	(tm) =	ssettm $0x1  }
0xf: {  	s18 =	sld [smem:$0x3FFB];
	_ =	sdelay $0x3  }
0x10: {  	_ =	strace s18  }
0x11: {  	s3 =	sld [smem:$0x3FFC];
	_ =	sdelay $0x3  }
0x12: {  	_ =	strace s3  }
0x13: {  	s3 =	sld [smem:$0x3FFD];
	_ =	sdelay $0x3  }
0x14: {  	_ =	strace s3  }
0x15: {  	_ =	strace $0x8FFFFFFF  }
0x16: {  	s19 =	sld [smem:$0x3FDB];
	_ =	sdelay $0x1  }
0x17: {  	s20 =	simm.s32 $_scs_section_size  }
0x18: {  	s5 =	simm.s32 $_size__tile_overlayer_lowered;
	s6 =	simm.s32 $_tile_overlayer_lowered  }
0x19: {  	s23 =	simm.s32 $0x1BFF;
	s22 =	sshll.u32 s6, $0x1;
	s3 =	sadd.s32 s20, s19  }
0x1a: {  	s7 =	simm.s32 $0x0;
	s21 =	sshll.u32 s5, $0x1;
	s5 =	sadd.s32 s22, s3  }
0x1b: {  	[timem:s7], [sflag:s23] =	dma.local [hbm:s5], s21  }
0x1c: {  	_ =	swait.ge [sflag:s23], s21  }
0x1d: {  	s4 =	ssub.s32 $0x0, s21;
	[sflag:s23] =	ssyncset.done $0x0  }
0x1e: {  	[sflag:s23] =	ssyncadd.s32 s4;
	_ =	sdelay $0x1  }
0x1f: {  	s24 =	simm.s32 $0x1B8B  }
0x20: {  	_ =	swait.ge [sflag:s24], $0x1  }
0x21: {  	[sflag:s24] =	ssyncset.done $0x0  }
0x22: {  	s26 =	simm.s32 $0x1B8E;
	s25 =	sld [smem:$0x3FFE];
	[sflag:s24] =	ssyncadd.s32 $0xFFFFFFFF  }
0x23: {  	s27 =	simm.s32 $execute0_lowered;
	[smem:$0x3FD2] =	sst s26  }
0x24: {  	s5 =	sshll.u32 s27, $0x1;
	_ =	strace $0x80000046;
	[dreg:$0x1] =	wrdreg $0xFFFFFFFF  }
0x25: {  	s28 =	simm.s32 $_size_execute0_lowered;
	s3 =	sadd.s32 s3, s5;
	[dreg:$0x0] =	wrdreg $0x0  }
0x26: {  	s5 =	sshll.u32 s28, $0x1;
	[dreg:$0x2] =	wrdreg s3  }
0x27: {  	[dreg:$0x3] =	wrdreg s5  }
0x28: {  	[dreg:$0x4] =	wrdreg $0xC0  }
0x29: {  	_ =	task [dreg:s7], $0x5FFFF  }
0x2a: {  	[dreg:$0x1] =	wrdreg $0xFFFFFFFF  }
0x2b: {  	[dreg:$0x0] =	wrdreg $0x60  }
0x2c: {  	[dreg:$0x2] =	wrdreg s25  }
0x2d: {  	[dreg:$0x3] =	wrdreg s17  }
0x2e: {  	[dreg:$0x4] =	wrdreg $0x9  }
0x2f: {  	_ =	task.clear_ibuf [dreg:s7], $0x5FFFF;
	_ =	strace $0x90000046  }
0x30: {  	s29 =	simm.s32 $0x9;
	_ =	strace $0x80000048  }
0x31: {  	_ =	swait.ge [sflag:s29], $0x1  }
0x32: {  	[sflag:s29] =	ssyncadd.s32 $0xFFFFFFFF  }
0x33: {  	_ =	strace $0x90000048  }
0x34: {  	_ =	sfence  }
0x35: {  	s30 =	sld [smem:$0x0];
	_ =	sdelay $0x2  }
0x36: {  	s31 =	sshll.u32 s1, $0xD;
	s1 =	sshrl.u32 s1, $0x2  }
0x37: {  	s3 =	sand.u32 $0x4000, s31;
	s1 =	sadd.s32 s1, s30  }
0x38: {  	s0 =	sor.u32 s3, s0;
	s1 =	sshll.u32 s1, $0x11  }
0x39: {  	s0 =	sor.u32 s1, s0  }
0x3a: {  	s0 =	sadd.s32 $0x8F2B, s0  }
0x3b: {  	[sflag:s0] =	ssyncadd.remote.s32 $0x1  }
0x3c: {  	_ =	sfence.sel $0xFFFF  }
0x3d: {  	[dreg:$0x0] =	wrdreg $0xFFFFFFFF;
	(pc) =	sbr.abs _section_cstart, $3  }
0x3e: {  	[dreg:$0x1] =	wrdreg $0xFFFFFFFF  }
0x3f: {  	_ =	task.clear_ibuf [dreg:s7], $0x2FFFF;
	_ =	strace $0x9FFFFFFF  }
0x40: {  	(tm) =	ssettm $0x7FFFFFFF  }
0x41: {  	_ =	shalt  }
tec
execute0_lowered:
.L_overlay_start_1:
0x0: {  	(tag) =	ssettag $0x1  }
0x1: {  	s0 =	stileid.u32  }
0x2: {  	s1 =	srdreg.scid;
	s4 =	rddreg [dreg:$0x0]  }
0x3: {  	_ =	strace $0x80000047;
	s7 =	simm.s32 $0x1;
	s31 =	simm.s32 $0x2  }
0x4: {  	s19 =	simm.s32 $0x0;
	s9 =	simm.s32 $0x4000;
	s21 =	simm.s32 $0x0  }
0x5: {  	s20 =	simm.s32 $0x0;
	s2 =	sshll.u32 s0, $0x5;
	s1 =	sshll.u32 s1, $0x9  }
0x6: {  	s22 =	simm.s32 $0x0;
	s10 =	simm.s32 $0x0;
	s1 =	sor.u32 s2, s1  }
0x7: {  	s12 =	simm.s32 $0x0;
	s13 =	simm.s32 $0x0;
	s2 =	sand.u32 $0x380, s1  }
0x8: {  	s14 =	simm.s32 $0x0;
	s15 =	simm.s32 $0x0;
	s5 =	ssub.s32 $0x800, s2  }
0x9: {  	s18 =	simm.s32 $0x0;
	s4 =	sadd.s32 $0xC00, s4;
	s6 =	sand.u32 $0x380, s5  }
.Ltmp0:
0xa: {  	s1 =	simm.s32 $0x0;
	p0 =	sne.s32 s6, $0x0;
	(pc) =	sbr.rel .LBB1_1-.Ltmp0, $4  }
0xb: {  	s16 =	smov.u32 s2;
	s8 =	sshrl.u32 s5, $0xA;
	s7 =	simm.s32 @!p0 $0x0  }
0xc: {  	s5 =	sand.u32 $0x3, s0;
	s6 =	simm.s32 $0x1;
	s7 =	sadd.s32 s7, s8  }
0xd: {  	s17 =	smov.u32 s5;
	[sflag:s6] =	ssyncpa.u1 $0x0;
	s7 =	sshll.u32 s7, $0x5  }
0xe: {  	p0 =	por $0x0, $0x0;
	[sflag:s31] =	ssyncpa.u1 $0x0;
	s8 =	sor.u32 $0x1, s7  }
.LBB1_4:
0xf: {  	v5 =	vld [tilespmem:s24+$0xFFFFFFD0]  }
0x10: {  	v58 =	vld [tilespmem:s24+$0xFFFFFFE0]  }
0x11: {  	v59 =	vld [tilespmem:s24+$0xFFFFFFF0]  }
0x12: {  	s27 =	sshra.s32 s27, $0x2;
	v60 =	vld [tilespmem:s24+$0x0]  }
0x13: {  	s3 =	sshll.u32 s10, $0xB;
	p1 =	sgt.s32 s13, $0x3;
	s28 =	smov.u32 s13;
	v61 =	vld [tilespmem:s24+$0x10]  }
0x14: {  	s29 =	sshra.s32 s13, $0x1F;
	s30 =	sshll.u32 s12, $0x3;
	s11 =	sand.u32 $0x78, s12;
	v62 =	vld [tilespmem:s24+$0x20]  }
0x15: {  	v63 =	vld [tilespmem:s24+$0xFFFFFFC0];
	s24 =	smul.u32 $0xA0000, s13;
	s26 =	sadd.s32 s27, s26;
	s28 =	simm.s32 @!p1 $0x3  }
0x16: {  	s29 =	sand.u32 s29, s13;
	s27 =	sand.u32 $0xFFFFC000, s3;
	s31 =	sand.u32 $0xFFFFFC00, s30  }
0x17: {  	s30 =	sand.u32 $0x400, s30;
	s3 =	sshra.s32 s12, $0x1F;
	s28 =	ssub.s32 s28, s29  }
0x18: {  	s27 =	sadd.s32 s31, s27;
	s29 =	sor.u32 s11, s30;
	s30 =	smov.u32 s12  }
0x19: {  	s11 =	smov.u32 s1;
	s31 =	sand.u32 s3, s12;
	s0 =	sadd.s32 $0xFFFFFFFD, s28  }
0x1a: {  	s3 =	sshra.s32 s10, $0x1F;
	s28 =	ssub.s32 $0x4, s28;
	p1 =	sgt.s32 s0, $0x0  }
0x1b: {  	s27 =	sshrl.u32 s27, $0xB;
	s28 =	simm.s32 @p1 $0x0;
	p1 =	sgt.s32 s12, $0x780  }
0x1c: {  	s0 =	sshra.s32 s1, $0x1F;
	s30 =	simm.s32 @!p1 $0x780;
	p1 =	sgt.s32 s1, $0xF  }
0x1d: {  	s3 =	sand.u32 s3, s10;
	s0 =	sand.u32 s0, s1;
	s11 =	simm.s32 @!p1 $0xF  }
0x1e: {  	s30 =	ssub.s32 s30, s31;
	p1 =	sgt.s32 s10, $0x20;
	s0 =	ssub.s32 s11, s0  }
0x1f: {  	[tilespmem:s25+$0x2040 ss:$0x81] =	vst.msk $0xffff, v4;
	s11 =	smov.u32 s10;
	s31 =	sadd.s32 $0xFFFFF880, s30;
	s30 =	ssub.s32 $0x800, s30  }
0x20: {  	[tilespmem:s25+$0x2850 ss:$0x81] =	vst.msk $0xffff, v3;
	s11 =	simm.s32 @!p1 $0x20;
	p1 =	sgt.s32 s31, $0x7F;
	s31 =	sadd.s32 $0xFFFFFFF1, s0  }
0x21: {  	[tilespmem:s25+$0x3060 ss:$0x81] =	vst.msk $0xffff, v2;
	s30 =	simm.s32 @p1 $0x0;
	p1 =	sgt.s32 s31, $0x0;
	s31 =	smulhi.u32 $0x199999A, s27  }
0x22: {  	[tilespmem:s25+$0x0 ss:$0x81] =	vst.msk $0xffff, v1;
	s0 =	ssub.s32 $0x10, s0;
	s3 =	ssub.s32 s11, s3;
	s11 =	smul.u32 s28, s30  }
0x23: {  	[tilespmem:s26+$0x3870 ss:$0x81] =	vst.msk $0xffff, v0;
	s30 =	sshll.u32 s10, $0x7;
	s0 =	simm.s32 @p1 $0x0;
	s28 =	smul.u32 $0xA0, s31  }
0x24: {  	[tilespmem:s26+$0x810 ss:$0x81] =	vst.msk $0xffff, v5;
	s25 =	sand.u32 $0x380, s30;
	s31 =	sadd.s32 $0xFFFFFFE0, s3;
	s30 =	smul.u32 $0xA000, s1  }
0x25: {  	[tilespmem:s26+$0x1020 ss:$0x81] =	vst.msk $0xffff, v58;
	s3 =	ssub.s32 $0xA0, s3;
	s0 =	smul.u32 s0, s11;
	p1 =	sgt.s32 s31, $0x7F  }
0x26: {  	[tilespmem:s26+$0x1830 ss:$0x81] =	vst.msk $0xffff, v59;
	s29 =	sor.u32 s25, s29;
	s31 =	rddreg [dreg:$0x1];
	s3 =	simm.s32 @p1 $0x0  }
0x27: {  	[tilespmem:s26+$0x2040 ss:$0x81] =	vst.msk $0xffff, v60;
	s27 =	ssub.s32 s27, s28;
	s0 =	smul.u32 s3, s0;
	s3 =	sadd.s32 s31, s24  }
0x28: {  	[tilespmem:s26+$0x2850 ss:$0x81] =	vst.msk $0xffff, v61;
	s28 =	sshrl.u32 s29, $0x3;
	s29 =	sand.u32 $0x7, s12;
	s3 =	sadd.s32 s30, s3  }
0x29: {  	[tilespmem:s26+$0x3060 ss:$0x81] =	vst.msk $0xffff, v62;
	s31 =	sshll.u32 s29, $0x12;
	s30 =	sshll.u32 s27, $0x8;
	s3 =	sadd.s32 s28, s3  }
0x2a: {  	[tilespmem:s26+$0x0 ss:$0x81] =	vst.msk $0xffff, v63;
	s11 =	sor.u32 $0x400, s31;
	s0 =	sand.u32 $0x3FFFFFFF, s0;
	s3 =	sadd.s32 s30, s3  }
0x2b: {  	[hbm4b:s3+s11] =	stream.strided.scatter [tilespmem:s23], [sflag:$0x2], s0, s9, s11, $0x20;
	[tilespmem:$0x10100] =	vst v63  }
.LBB1_5:
0x2c: {  	p1 =	slt.u32 s18, $0x2;
	s0 =	smov.u32 s22  }
0x2d: {  	s23 =	sadd.s32 $0x80, s14;
	s24 =	smov.u32 s16;
	s25 =	smov.u32 s17  }
0x2e: {  	p0 =	por !p0, !p0;
	p2 =	sgt.s32 @!p1 s22, $0x3;
	s3 =	sshra.s32 @!p1 s22, $0x1F  }
0x2f: {  	s11 =	sshra.s32 @!p1 s21, $0x1F;
	p3 =	sgt.s32 @!p1 s20, $0x780;
	p2 =	por !p2, p1  }
0x30: {  	s3 =	sand.u32 @!p1 s3, s22;
	s11 =	sand.u32 @!p1 s11, s21;
	s0 =	simm.s32 @p2 $0x3  }
0x31: {  	p3 =	por !p3, p1;
	p2 =	sgt.s32 @!p1 s21, $0xF;
	s0 =	ssub.s32 @!p1 s0, s3  }
0x32: {  	p2 =	por !p2, p1;
	s3 =	smov.u32 s21;
	s21 =	sadd.s32 @!p1 $0xFFFFFFFD, s0  }
0x33: {  	s3 =	simm.s32 @p2 $0xF;
	s0 =	ssub.s32 @!p1 $0x4, s0;
	p2 =	sgt.s32 @!p1 s21, $0x0  }
0x34: {  	s3 =	ssub.s32 @!p1 s3, s11;
	s21 =	sshra.s32 @!p1 s20, $0x1F;
	p2 =	por !p2, p1  }
0x35: {  	s11 =	sadd.s32 @!p1 $0xFFFFFFF1, s3;
	s3 =	ssub.s32 @!p1 $0x10, s3;
	s0 =	simm.s32 @!p2 $0x0  }
0x36: {  	p2 =	sgt.s32 @!p1 s11, $0x0;
	s11 =	smov.u32 s20;
	s20 =	sand.u32 @!p1 s21, s20  }
0x37: {  	s21 =	sshra.s32 @!p1 s19, $0x1F;
	s11 =	simm.s32 @p3 $0x780;
	p3 =	sgt.s32 @!p1 s19, $0x20  }
0x38: {  	p2 =	por !p2, p1;
	s11 =	ssub.s32 @!p1 s11, s20;
	p3 =	por !p3, p1  }
0x39: {  	s20 =	smov.u32 s19;
	s19 =	sand.u32 @!p1 s21, s19;
	s21 =	sadd.s32 @!p1 $0xFFFFF880, s11  }
0x3a: {  	s3 =	simm.s32 @!p2 $0x0;
	s20 =	simm.s32 @p3 $0x20;
	p2 =	sgt.s32 @!p1 s21, $0x7F  }
0x3b: {  	s11 =	ssub.s32 @!p1 $0x800, s11;
	s19 =	ssub.s32 @!p1 s20, s19;
	p2 =	por !p2, p1  }
0x3c: {  	s22 =	smov.u32 s13;
	s20 =	sadd.s32 @!p1 $0xFFFFFFE0, s19;
	s11 =	simm.s32 @!p2 $0x0  }
0x3d: {  	p2 =	sgt.s32 s23, $0x9F;
	s0 =	smul.u32 @!p1 s0, s11;
	s11 =	simm.s32 $0x1  }
0x3e: {  	s19 =	ssub.s32 @!p1 $0xA0, s19;
	p3 =	sgt.s32 @!p1 s20, $0x7F;
	s11 =	simm.s32 @!p2 $0x0  }
0x3f: {  	p3 =	por !p3, p1;
	s0 =	smul.u32 @!p1 s3, s0;
	s3 =	sadd.s32 s11, s15  }
0x40: {  	s19 =	simm.s32 @!p3 $0x0;
	s11 =	sadd.s32 $0x400, s16;
	p3 =	sgt.s32 s3, $0xF  }
0x41: {  	s13 =	smov.u32 s17;
	s21 =	smov.u32 s1;
	s24 =	smov.u32 @p3 s11  }
0x42: {  	s23 =	simm.s32 @p2 $0x0;
	s11 =	sadd.s32 $0x4, s17;
	p2 =	sgt.s32 s24, $0x7FF  }
0x43: {  	s1 =	smov.u32 s15;
	s20 =	smov.u32 s12;
	s25 =	smov.u32 @p2 s11  }
0x44: {  	s12 =	smov.u32 s16;
	s24 =	smov.u32 @p2 s2;
	p2 =	sgt.s32 s25, $0x3  }
0x45: {  	s0 =	smul.u32 @!p1 s19, s0;
	s25 =	smov.u32 @p2 s5;
	p2 =	sne.s32 s18, s8  }
.Ltmp1:
0x46: {  	s3 =	simm.s32 @p3 $0x0;
	s19 =	smov.u32 s10;
	(pc) =	sbr.rel @!p2 .LBB1_6-.Ltmp1, $4  }
0x47: {  	s10 =	smov.u32 s14;
	s0 =	sand.u32 @!p1 $0x3FFFFFFF, s0;
	s11 =	simm.s32 @!p1 $0x2  }
0x48: {  	s14 =	smov.u32 s23;
	s15 =	smov.u32 s3;
	_ =	swait.ge @!p1 [sflag:s11], s0  }
0x49: {  	s0 =	ssub.s32 @!p1 $0x0, s0;
	s16 =	smov.u32 s24;
	[sflag:s11] =	ssyncset.done @!p1 $0x0  }
0x4a: {  	s18 =	sadd.s32 $0x1, s18;
	[sflag:s11] =	ssyncadd.s32 @!p1 s0;
	s17 =	smov.u32 s25  }
.LBB1_1:
0x4b: {  	p1 =	sge.u32 s18, s7;
	s31 =	sadd.s32 $0xFFFFFFFF, s18  }
0x4c: {  	s23 =	sxor.u32 @!p1 $0xFFFFFFFF, s18;
	s24 =	sand.u32 @!p1 $0x78, s14;
	s25 =	sshll.u32 @!p1 s15, $0x8  }
0x4d: {  	s26 =	sshll.u32 @!p1 s14, $0x3;
	s27 =	sshll.u32 @!p1 s15, $0x7;
	s23 =	sshll.u32 @!p1 s23, $0xE  }
0x4e: {  	s25 =	sand.u32 @!p1 $0x800, s25;
	s26 =	sand.u32 @!p1 $0xC00, s26;
	s23 =	sand.u32 @!p1 $0x4000, s23  }
0x4f: {  	s25 =	sadd.s32 @!p1 s25, s26;
	s26 =	sand.u32 @!p1 $0x300, s27;
	s27 =	sand.u32 @!p1 $0x80, s27  }
0x50: {  	s25 =	sor.u32 @!p1 s26, s25;
	s24 =	sor.u32 @!p1 s24, s27;
	s26 =	sshll.u32 @!p1 s17, $0x14  }
0x51: {  	s27 =	sshll.u32 @!p1 s16, $0x9;
	s25 =	sshrl.u32 @!p1 s25, $0x3;
	s26 =	sadd.s32 @!p1 s4, s26  }
0x52: {  	s24 =	sshrl.u32 @!p1 s24, $0x3;
	s26 =	sadd.s32 @!p1 s27, s26;
	s27 =	sand.u32 @!p1 $0x7, s14  }
0x53: {  	s25 =	sand.u32 @!p1 $0x1E0, s25;
	s24 =	sadd.s32 @!p1 s24, s26;
	s26 =	sshll.u32 @!p1 s27, $0x12  }
0x54: {  	s24 =	sadd.s32 @!p1 s25, s24;
	s25 =	sor.u32 @!p1 $0x80, s26;
	s26 =	simm.s32 @!p1 $0x1000  }
0x55: {  	[tilespmem:s23], [sflag:$0x1] =	stream.strided.gather @!p1 [hbm4b:s24+s25], $0x4000, s26, s25, $0x38;
	[tilespmem:$0x10100] =	vst v63  }
0x56: {  	p1 =	sge.u32 s31, s7  }
.Ltmp2:
0x57: {  	_ = 	snop;
	(pc) =	sbr.rel @p1 .LBB1_5-.Ltmp2, $1  }
0x58: {  	_ =	sdelay $0x3  }
0x59: {  	s23 =	simm.s32 $0x1  }
0x5a: {  	_ =	swait.ge [sflag:s6], $0x4000;
	s23 =	simm.s32 @!p0 $0x0  }
0x5b: {  	[sflag:s6] =	ssyncset.done $0x0;
	s24 =	sshll.u32 s23, $0xE  }
0x5c: {  	[sflag:s6] =	ssyncadd.s32 $0xFFFFC000;
	s24 =	sor.u32 $0x40, s24  }
0x5d: {  	s23 =	smul.u32 $0x10200, s23;
	v0 =	vld [tilespmem:s24+$0x30]  }
0x5e: {  	v1 =	vld [tilespmem:s24+$0xFFFFFFD0]  }
0x5f: {  	s23 =	sshrl.u32 s23, $0x2;
	v5 =	vld [tilespmem:s24+$0xFFFFFFE0]  }
0x60: {  	v6 =	vld [tilespmem:s24+$0xFFFFFFF0];
	s26 =	sor.u32 $0x8000, s23  }
0x61: {  	s31 =	sand.u32 $0x1, s18;
	v4 =	vld [tilespmem:s24+$0x0];
	s25 =	sadd.s32 $0x0, s26  }
0x62: {  	v3 =	vld [tilespmem:s24+$0x10];
	s23 =	smul.u32 $0x10200, s31;
	[tilespmem:s25+$0x3870 ss:$0x81] =	vst.msk $0xffff, v0  }
0x63: {  	v2 =	vld [tilespmem:s24+$0x20];
	[tilespmem:s25+$0x810 ss:$0x81] =	vst.msk $0xffff, v1  }
0x64: {  	s23 =	sshrl.u32 s23, $0x2;
	v1 =	vld [tilespmem:s24+$0xFFFFFFC0];
	[tilespmem:s25+$0x1020 ss:$0x81] =	vst.msk $0xffff, v5;
	s24 =	sadd.s32 $0x80, s24  }
0x65: {  	s27 =	simm.s32 $0x4;
	s28 =	simm.s32 $0x8;
	s23 =	sor.u32 $0x8000, s23;
	[tilespmem:s25+$0x1830 ss:$0x81] =	vst.msk $0xffff, v6;
	v0 =	vld [tilespmem:s24+$0x30]  }
.LBB1_3:
0x66: {  	p1 =	sne.s32 s28, $0x1FC;
	v5 =	vld [tilespmem:s24+$0xFFFFFFD0];
	[tilespmem:s25+$0x2040 ss:$0x81] =	vst.msk $0xffff, v4  }
0x67: {  	v6 =	vld [tilespmem:s24+$0xFFFFFFE0];
	[tilespmem:s25+$0x2850 ss:$0x81] =	vst.msk $0xffff, v3  }
0x68: {  	s29 =	sshra.s32 s27, $0x2;
	s27 =	smov.u32 s28;
	v7 =	vld [tilespmem:s24+$0xFFFFFFF0];
	[tilespmem:s25+$0x3060 ss:$0x81] =	vst.msk $0xffff, v2  }
.Ltmp3:
0x69: {  	v4 =	vld [tilespmem:s24+$0x0];
	[tilespmem:s25+$0x0 ss:$0x81] =	vst.msk $0xffff, v1;
	s25 =	sadd.s32 s29, s26;
	(pc) =	sbr.rel @p1 .LBB1_3-.Ltmp3, $4  }
0x6a: {  	v3 =	vld [tilespmem:s24+$0x10];
	[tilespmem:s25+$0x3870 ss:$0x81] =	vst.msk $0xffff, v0  }
0x6b: {  	[tilespmem:s25+$0x810 ss:$0x81] =	vst.msk $0xffff, v5;
	v2 =	vld [tilespmem:s24+$0x20]  }
0x6c: {  	v1 =	vld [tilespmem:s24+$0xFFFFFFC0];
	[tilespmem:s25+$0x1020 ss:$0x81] =	vst.msk $0xffff, v6;
	s24 =	sadd.s32 $0x80, s24  }
0x6d: {  	s28 =	sadd.s32 $0x4, s28;
	v0 =	vld [tilespmem:s24+$0x30];
	[tilespmem:s25+$0x1830 ss:$0x81] =	vst.msk $0xffff, v7  }
.Ltmp4:
0x6e: {  	_ = 	snop;
	(pc) =	sbr.rel .LBB1_4-.Ltmp4, $1  }
0x6f: {  	_ =	sdelay $0x3  }
.LBB1_6:
0x70: {  	_ =	sfence.sel $0x180000  }
0x71: {  	s0 =	simm.s32 $0x1;
	[bflag:$0x0] =	sbarrier.arrive $0xFFFF  }
0x72: {  	s30 =	simm.s32 $0x2;
	[sflag:s0] =	ssyncpa.u1 $0x1  }
0x73: {  	[sflag:s30] =	ssyncpa.u1 $0x1  }
0x74: {  	_ =	strace $0x90000047  }
0x75: {  	s31 =	stileid.u32;
	[bflag:$0x2] =	sbarrier.arrive $0xFFFF  }
0x76: {  	p0 =	sne.s32 s31, $0x0;
	s0 =	rddreg [dreg:$0x2]  }
0x77: {  	s0 =	sadd.s32 @!p0 $0x100000, s0  }
0x78: {  	[sflag:s0] =	ssyncadd.tile.s32 @!p0 $0x1;
	_ =	shalt  }
.Lfunc_end1:
_tile_overlayer_lowered:
.L_overlay_start_2:
0x79: {  	(tag) =	ssettag $0x2  }
0x7a: {  	s0 =	rddreg [dreg:$0x0];
	s2 =	stileid.u32  }
0x7b: {  	s1 =	rddreg [dreg:$0x1];
	p0 =	sne.s32 s2, $0x0  }
0x7c: {  	s3 =	rddreg [dreg:$0x2];
	[bflag:$0x3] =	sbarrier.arrive $0xFFFF;
	s2 =	simm.s32 @!p0 $0x1C01  }
0x7d: {  	[timem:s3], [sflag:s2] =	dma.local @!p0 [hbm:s0], s1  }
0x7e: {  	s0 =	simm.s32 @!p0 $0x1  }
0x7f: {  	_ =	swait.ge @!p0 [sflag:s0], s1  }
0x80: {  	s1 =	ssub.s32 @!p0 $0x0, s1;
	[sflag:s0] =	ssyncset.done @!p0 $0x0  }
0x81: {  	[sflag:s0] =	ssyncadd.s32 @!p0 s1  }
0x82: {  	[bflag:$0x3] =	sbarrier.arrive $0xFFFF  }
0x83: {  	_ =	shalt  }

</sc_bundles>
